<compile_context>
chip_gen: v7x
topology: tpu7x:2x2x1
jax: 0.10.2.dev20260603
libtpu: 0.0.44.dev20260713+nightly
codegen_flags: <defaults>
</compile_context>

<pallas_src>
import jax
import jax.numpy as jnp
from jax import lax
from jax.experimental import pallas as pl
from jax.experimental.pallas import tpu as pltpu
from jax.experimental.pallas import tpu_sc as plsc

B = 128
S = 512
R1 = 20000
R2 = 80000

NCORE = 2
NSUB = 16
BH = B // NCORE

R1G = R1 // NSUB
R2G = R2 // NSUB
R1GP = ((R1G + 15) // 16) * 16
R2GP = ((R2G + 15) // 16) * 16
NG1 = R1GP // 16
NG2 = R2GP // 16


def _pad_groups(x, rg, rgp, nsub):
    x = x.reshape(nsub, rg)
    x = jnp.pad(x, ((0, 0), (0, rgp - rg)))
    return x.reshape(nsub * rgp)


def _sc_body(y_h, ltb_h, ntb_h,
             i1r1_h, i1p1_h, i1p2_h, a1_h, b1_h, g1_h,
             i2r1_h, i2r2_h, i2p1_h, i2p2_h, a2_h, b2_h, g2_h,
             out_h,
             y_v, dy_v, ltb_v, ntb_v,
             i1r1_v, i1p1_v, i1p2_v, a1_v, b1_v, g1_v,
             i2r1_v, i2r2_v, i2p1_v, i2p2_v, a2_v, b2_v, g2_v, dma_sem):
    c = lax.axis_index("c")
    s = lax.axis_index("s")

    copies = [
        pltpu.async_copy(y_h.at[pl.ds(c * (BH * S), BH * S)], y_v, dma_sem),
        pltpu.async_copy(ltb_h.at[pl.ds(c * (BH * 16), BH * 16)], ltb_v, dma_sem),
        pltpu.async_copy(ntb_h.at[pl.ds(c * (BH * 16), BH * 16)], ntb_v, dma_sem),
        pltpu.async_copy(i1r1_h.at[pl.ds(s * R1GP, R1GP)], i1r1_v, dma_sem),
        pltpu.async_copy(i1p1_h.at[pl.ds(s * R1GP, R1GP)], i1p1_v, dma_sem),
        pltpu.async_copy(i1p2_h.at[pl.ds(s * R1GP, R1GP)], i1p2_v, dma_sem),
        pltpu.async_copy(a1_h.at[pl.ds(s * R1GP, R1GP)], a1_v, dma_sem),
        pltpu.async_copy(b1_h.at[pl.ds(s * R1GP, R1GP)], b1_v, dma_sem),
        pltpu.async_copy(g1_h.at[pl.ds(s * R1GP, R1GP)], g1_v, dma_sem),
        pltpu.async_copy(i2r1_h.at[pl.ds(s * R2GP, R2GP)], i2r1_v, dma_sem),
        pltpu.async_copy(i2r2_h.at[pl.ds(s * R2GP, R2GP)], i2r2_v, dma_sem),
        pltpu.async_copy(i2p1_h.at[pl.ds(s * R2GP, R2GP)], i2p1_v, dma_sem),
        pltpu.async_copy(i2p2_h.at[pl.ds(s * R2GP, R2GP)], i2p2_v, dma_sem),
        pltpu.async_copy(a2_h.at[pl.ds(s * R2GP, R2GP)], a2_v, dma_sem),
        pltpu.async_copy(b2_h.at[pl.ds(s * R2GP, R2GP)], b2_v, dma_sem),
        pltpu.async_copy(g2_h.at[pl.ds(s * R2GP, R2GP)], g2_v, dma_sem),
    ]

    zeros16 = jnp.zeros((16,), jnp.float32)

    def zero_row(i, carry):
        for j in range(8):
            dy_v[pl.ds(i * 128 + j * 16, 16)] = zeros16
        return carry

    lax.fori_loop(0, BH * S // 128, zero_row, 0)

    for cp in copies:
        cp.wait()

    def group2(ig, carry):
        base = ig * 16
        ir1 = i2r1_v[pl.ds(base, 16)]
        ir2 = i2r2_v[pl.ds(base, 16)]
        ip1 = i2p1_v[pl.ds(base, 16)]
        ip2 = i2p2_v[pl.ds(base, 16)]
        av = a2_v[pl.ds(base, 16)]
        bv = b2_v[pl.ds(base, 16)]
        gv = g2_v[pl.ds(base, 16)]

        def brow(bb, carry2):
            U = 8
            frs, ts = [], []
            for j in range(U):
                b = bb * U + j
                ltv = ltb_v[pl.ds(b * 16, 16)]
                ntv = ntb_v[pl.ds(b * 16, 16)]
                yrow = y_v.at[pl.ds(b * S, S)]
                y1 = plsc.load_gather(yrow, [ir1])
                y2 = plsc.load_gather(yrow, [ir2])
                k = av * jnp.exp(bv * ltv + gv * ntv)
                t = k * y1 * y2
                frs.append(b)
                ts.append(t)
            for j in range(U):
                b = frs[j]
                drow = dy_v.at[pl.ds(b * S, S)]
                t = ts[j]
                nt = -t
                plsc.addupdate_scatter(drow, [ir1], nt)
                plsc.addupdate_scatter(drow, [ir2], nt)
                plsc.addupdate_scatter(drow, [ip1], t)
                plsc.addupdate_scatter(drow, [ip2], t)
            return carry2

        lax.fori_loop(0, BH // 8, brow, 0)
        return carry

    lax.fori_loop(0, NG2, group2, 0)

    def group1(ig, carry):
        base = ig * 16
        ir1 = i1r1_v[pl.ds(base, 16)]
        ip1 = i1p1_v[pl.ds(base, 16)]
        ip2 = i1p2_v[pl.ds(base, 16)]
        av = a1_v[pl.ds(base, 16)]
        bv = b1_v[pl.ds(base, 16)]
        gv = g1_v[pl.ds(base, 16)]

        def brow(bb, carry2):
            U = 8
            frs, ts = [], []
            for j in range(U):
                b = bb * U + j
                ltv = ltb_v[pl.ds(b * 16, 16)]
                ntv = ntb_v[pl.ds(b * 16, 16)]
                yrow = y_v.at[pl.ds(b * S, S)]
                y1 = plsc.load_gather(yrow, [ir1])
                k = av * jnp.exp(bv * ltv + gv * ntv)
                t = k * y1
                frs.append(b)
                ts.append(t)
            for j in range(U):
                b = frs[j]
                drow = dy_v.at[pl.ds(b * S, S)]
                t = ts[j]
                plsc.addupdate_scatter(drow, [ir1], -t)
                plsc.addupdate_scatter(drow, [ip1], t)
                plsc.addupdate_scatter(drow, [ip2], t)
            return carry2

        lax.fori_loop(0, BH // 8, brow, 0)
        return carry

    lax.fori_loop(0, NG1, group1, 0)

    pltpu.sync_copy(dy_v, out_h.at[s, c])


def kernel(t_in, y_in, inds_r1_1st, inds_p1_1st, inds_p2_1st,
           inds_r1_2nd, inds_r2_2nd, inds_p1_2nd, inds_p2_2nd,
           alpha_1st, beta_1st, gamma_1st,
           alpha_2nd, beta_2nd, gamma_2nd,
           T0, den0):
    T_gas = 10.0 + T0[0] * jax.nn.sigmoid(t_in * 1.0e-5)
    lt = jnp.log(T_gas / 300.0)
    ninvT = -1.0 / T_gas
    ltb = jnp.broadcast_to(lt[:, None], (B, 16)).reshape(B * 16)
    ntb = jnp.broadcast_to(ninvT[:, None], (B, 16)).reshape(B * 16)

    a2d = alpha_2nd * den0[0]

    i1r1 = _pad_groups(inds_r1_1st, R1G, R1GP, NSUB)
    i1p1 = _pad_groups(inds_p1_1st, R1G, R1GP, NSUB)
    i1p2 = _pad_groups(inds_p2_1st, R1G, R1GP, NSUB)
    a1 = _pad_groups(alpha_1st, R1G, R1GP, NSUB)
    b1 = _pad_groups(beta_1st, R1G, R1GP, NSUB)
    g1 = _pad_groups(gamma_1st, R1G, R1GP, NSUB)
    i2r1 = _pad_groups(inds_r1_2nd, R2G, R2GP, NSUB)
    i2r2 = _pad_groups(inds_r2_2nd, R2G, R2GP, NSUB)
    i2p1 = _pad_groups(inds_p1_2nd, R2G, R2GP, NSUB)
    i2p2 = _pad_groups(inds_p2_2nd, R2G, R2GP, NSUB)
    a2 = _pad_groups(a2d, R2G, R2GP, NSUB)
    b2 = _pad_groups(beta_2nd, R2G, R2GP, NSUB)
    g2 = _pad_groups(gamma_2nd, R2G, R2GP, NSUB)

    mesh = plsc.VectorSubcoreMesh(core_axis_name="c", subcore_axis_name="s")
    sc = pl.kernel(
        _sc_body,
        mesh=mesh,
        compiler_params=pltpu.CompilerParams(needs_layout_passes=False),
        out_type=jax.ShapeDtypeStruct((NSUB, NCORE, BH * S), jnp.float32),
        scratch_types=[
            pltpu.VMEM((BH * S,), jnp.float32),
            pltpu.VMEM((BH * S,), jnp.float32),
            pltpu.VMEM((BH * 16,), jnp.float32),
            pltpu.VMEM((BH * 16,), jnp.float32),
            pltpu.VMEM((R1GP,), jnp.int32),
            pltpu.VMEM((R1GP,), jnp.int32),
            pltpu.VMEM((R1GP,), jnp.int32),
            pltpu.VMEM((R1GP,), jnp.float32),
            pltpu.VMEM((R1GP,), jnp.float32),
            pltpu.VMEM((R1GP,), jnp.float32),
            pltpu.VMEM((R2GP,), jnp.int32),
            pltpu.VMEM((R2GP,), jnp.int32),
            pltpu.VMEM((R2GP,), jnp.int32),
            pltpu.VMEM((R2GP,), jnp.int32),
            pltpu.VMEM((R2GP,), jnp.float32),
            pltpu.VMEM((R2GP,), jnp.float32),
            pltpu.VMEM((R2GP,), jnp.float32),
            pltpu.SemaphoreType.DMA,
        ],
    )
    partials = sc(y_in.reshape(B * S), ltb, ntb,
                  i1r1, i1p1, i1p2, a1, b1, g1,
                  i2r1, i2r2, i2p1, i2p2, a2, b2, g2)
    return partials.sum(axis=0).reshape(B, S)

# --- scband reference (transcript-rebuilt; emitter-appended) ---
"""Pipeline reference for scband-two-phase-term-70128226009316 (READ-ONLY COPY).

The authoritative reference and input builder live on the scoring server;
editing this copy changes nothing except your own understanding.
"""

import jax, jax.numpy as jnp
import numpy as np

B = 128   # batch of time points / cells
S = 512   # number of chemical species
R1 = 20000  # first-order reactions
R2 = 80000  # second-order reactions


def setup_inputs(seed: int = 0) -> dict:
    key = jax.random.key(seed)
    ks = jax.random.split(key, 16)
    t_in = jax.random.uniform(ks[0], (B,), dtype=jnp.float32) * 1.0e5
    y_in = jax.random.uniform(ks[1], (B, S), dtype=jnp.float32) * 1.0e-4
    # reaction network topology (constants)
    inds_r1_1st = jax.random.randint(ks[2], (R1,), 0, S)
    inds_p1_1st = jax.random.randint(ks[3], (R1,), 0, S)
    inds_p2_1st = jax.random.randint(ks[4], (R1,), 0, S)
    inds_r1_2nd = jax.random.randint(ks[5], (R2,), 0, S)
    inds_r2_2nd = jax.random.randint(ks[6], (R2,), 0, S)
    inds_p1_2nd = jax.random.randint(ks[7], (R2,), 0, S)
    inds_p2_2nd = jax.random.randint(ks[8], (R2,), 0, S)
    # Arrhenius rate coefficients (learned/physical parameters)
    alpha_1st = jax.random.uniform(ks[9], (R1,), dtype=jnp.float32) * 1.0e-9
    beta_1st = jax.random.normal(ks[10], (R1,), dtype=jnp.float32) * 0.5
    gamma_1st = jax.random.uniform(ks[11], (R1,), dtype=jnp.float32) * 100.0
    alpha_2nd = jax.random.uniform(ks[12], (R2,), dtype=jnp.float32) * 1.0e-9
    beta_2nd = jax.random.normal(ks[13], (R2,), dtype=jnp.float32) * 0.5
    gamma_2nd = jax.random.uniform(ks[14], (R2,), dtype=jnp.float32) * 100.0
    # medium module parameters
    T0 = jnp.array([100.0], dtype=jnp.float32)
    den0 = jnp.array([2.0e4], dtype=jnp.float32)
    return {
        "t_in": t_in, "y_in": y_in,
        "inds_r1_1st": inds_r1_1st, "inds_p1_1st": inds_p1_1st, "inds_p2_1st": inds_p2_1st,
        "inds_r1_2nd": inds_r1_2nd, "inds_r2_2nd": inds_r2_2nd,
        "inds_p1_2nd": inds_p1_2nd, "inds_p2_2nd": inds_p2_2nd,
        "alpha_1st": alpha_1st, "beta_1st": beta_1st, "gamma_1st": gamma_1st,
        "alpha_2nd": alpha_2nd, "beta_2nd": beta_2nd, "gamma_2nd": gamma_2nd,
        "T0": T0, "den0": den0,
    }


def _arrhenius(T_gas, alpha, beta, gamma):
    # k = alpha * (T/300)^beta * exp(-gamma/T), broadcast [B,1]x[1,R] -> [B,R]
    Tb = T_gas[:, None]
    return alpha[None, :] * jnp.power(Tb / 300.0, beta[None, :]) * jnp.exp(-gamma[None, :] / Tb)


def reference(t_in, y_in,
              inds_r1_1st, inds_p1_1st, inds_p2_1st,
              inds_r1_2nd, inds_r2_2nd, inds_p1_2nd, inds_p2_2nd,
              alpha_1st, beta_1st, gamma_1st,
              alpha_2nd, beta_2nd, gamma_2nd,
              T0, den0):
    # module_med: medium parameters as a function of time
    T_gas = 10.0 + T0[0] * jax.nn.sigmoid(t_in * 1.0e-5)  # [B]
    den_gas = den0[0] * jnp.ones_like(t_in)               # [B] -> den_norm
    # rmod_1st / rmod_2nd: per-reaction rate coefficients
    rates_1st = _arrhenius(T_gas, alpha_1st, beta_1st, gamma_1st)  # [B, R1]
    rates_2nd = _arrhenius(T_gas, alpha_2nd, beta_2nd, gamma_2nd)  # [B, R2]
    # asm_1st: first-order terms  k * y[r1]
    term1 = rates_1st * y_in[:, inds_r1_1st]
    dy = jnp.zeros_like(y_in)
    dy = dy.at[:, inds_r1_1st].add(-term1)
    dy = dy.at[:, inds_p1_1st].add(term1)
    dy = dy.at[:, inds_p2_1st].add(term1)
    # asm_2nd: second-order terms  k * y[r1] * y[r2] * den_norm
    term2 = rates_2nd * y_in[:, inds_r1_2nd] * y_in[:, inds_r2_2nd] * den_gas[:, None]
    dy = dy.at[:, inds_r1_2nd].add(-term2)
    dy = dy.at[:, inds_r2_2nd].add(-term2)
    dy = dy.at[:, inds_p1_2nd].add(term2)
    dy = dy.at[:, inds_p2_2nd].add(term2)
    return dy

if __name__ == "__main__":
    import jax
    _d = setup_inputs()
    print(jax.jit(kernel)(*tuple(_d.values())))

</pallas_src>

<mosaic_0001>
#map = affine_map<(d0, d1) -> (0)>
#map1 = affine_map<(d0, d1) -> (0, 0, 0)>
module attributes {stable_mosaic.version = 14 : i64} {
  func.func @_sc_body(%arg0: i32, %arg1: i32, %arg2: memref<65536xf32, #tpu.memory_space<hbm>>, %arg3: memref<2048xf32, #tpu.memory_space<hbm>>, %arg4: memref<2048xf32, #tpu.memory_space<hbm>>, %arg5: memref<20224xi32, #tpu.memory_space<hbm>>, %arg6: memref<20224xi32, #tpu.memory_space<hbm>>, %arg7: memref<20224xi32, #tpu.memory_space<hbm>>, %arg8: memref<20224xf32, #tpu.memory_space<hbm>>, %arg9: memref<20224xf32, #tpu.memory_space<hbm>>, %arg10: memref<20224xf32, #tpu.memory_space<hbm>>, %arg11: memref<80128xi32, #tpu.memory_space<hbm>>, %arg12: memref<80128xi32, #tpu.memory_space<hbm>>, %arg13: memref<80128xi32, #tpu.memory_space<hbm>>, %arg14: memref<80128xi32, #tpu.memory_space<hbm>>, %arg15: memref<80128xf32, #tpu.memory_space<hbm>>, %arg16: memref<80128xf32, #tpu.memory_space<hbm>>, %arg17: memref<80128xf32, #tpu.memory_space<hbm>>, %arg18: memref<16x2x32768xf32, #tpu.memory_space<hbm>>, %arg19: memref<32768xf32, #tpu.memory_space<vmem>>, %arg20: memref<32768xf32, #tpu.memory_space<vmem>>, %arg21: memref<1024xf32, #tpu.memory_space<vmem>>, %arg22: memref<1024xf32, #tpu.memory_space<vmem>>, %arg23: memref<1264xi32, #tpu.memory_space<vmem>>, %arg24: memref<1264xi32, #tpu.memory_space<vmem>>, %arg25: memref<1264xi32, #tpu.memory_space<vmem>>, %arg26: memref<1264xf32, #tpu.memory_space<vmem>>, %arg27: memref<1264xf32, #tpu.memory_space<vmem>>, %arg28: memref<1264xf32, #tpu.memory_space<vmem>>, %arg29: memref<5008xi32, #tpu.memory_space<vmem>>, %arg30: memref<5008xi32, #tpu.memory_space<vmem>>, %arg31: memref<5008xi32, #tpu.memory_space<vmem>>, %arg32: memref<5008xi32, #tpu.memory_space<vmem>>, %arg33: memref<5008xf32, #tpu.memory_space<vmem>>, %arg34: memref<5008xf32, #tpu.memory_space<vmem>>, %arg35: memref<5008xf32, #tpu.memory_space<vmem>>, %arg36: memref<!tpu.dma_semaphore, #tpu.memory_space<semaphore_mem>>) attributes {dimension_semantics = [#tpu.dimension_semantics<core_parallel>, #tpu.dimension_semantics<subcore_parallel>], iteration_bounds = array<i64: 2, 16>, scalar_prefetch = 0 : i64, scratch_operands = 18 : i64, tpu.core_type = #tpu.core_type<sc_vector_subcore>, window_params = [{transform_indices = #map}, {transform_indices = #map}, {transform_indices = #map}, {transform_indices = #map}, {transform_indices = #map}, {transform_indices = #map}, {transform_indices = #map}, {transform_indices = #map}, {transform_indices = #map}, {transform_indices = #map}, {transform_indices = #map}, {transform_indices = #map}, {transform_indices = #map}, {transform_indices = #map}, {transform_indices = #map}, {transform_indices = #map}, {transform_indices = #map1}]} {
    %mul3A = arith.constant 32768 : i32
    %mul3A_0 = arith.muli %arg0, %mul3A : i32
    %dma_start3A = tpu.memref_slice %arg2[%mul3A_0] : memref<65536xf32, #tpu.memory_space<hbm>> -> memref<32768xf32, #tpu.memory_space<hbm>>
    %dma_start3A_1 = tpu.memref_slice %arg2[%mul3A_0] : memref<65536xf32, #tpu.memory_space<hbm>> -> memref<32768xf32, #tpu.memory_space<hbm>>
    tpu.enqueue_dma source(%dma_start3A_1 : memref<32768xf32, #tpu.memory_space<hbm>>) target(%arg19 : memref<32768xf32, #tpu.memory_space<vmem>>) target_semaphore(%arg36 : memref<!tpu.dma_semaphore, #tpu.memory_space<semaphore_mem>>)
    %mul3A_2 = arith.constant 1024 : i32
    %mul3A_3 = arith.muli %arg0, %mul3A_2 : i32
    %dma_start3A_4 = tpu.memref_slice %arg3[%mul3A_3] : memref<2048xf32, #tpu.memory_space<hbm>> -> memref<1024xf32, #tpu.memory_space<hbm>>
    %dma_start3A_5 = tpu.memref_slice %arg3[%mul3A_3] : memref<2048xf32, #tpu.memory_space<hbm>> -> memref<1024xf32, #tpu.memory_space<hbm>>
    tpu.enqueue_dma source(%dma_start3A_5 : memref<1024xf32, #tpu.memory_space<hbm>>) target(%arg21 : memref<1024xf32, #tpu.memory_space<vmem>>) target_semaphore(%arg36 : memref<!tpu.dma_semaphore, #tpu.memory_space<semaphore_mem>>)
    %mul3A_6 = arith.constant 1024 : i32
    %mul3A_7 = arith.muli %arg0, %mul3A_6 : i32
    %dma_start3A_8 = tpu.memref_slice %arg4[%mul3A_7] : memref<2048xf32, #tpu.memory_space<hbm>> -> memref<1024xf32, #tpu.memory_space<hbm>>
    %dma_start3A_9 = tpu.memref_slice %arg4[%mul3A_7] : memref<2048xf32, #tpu.memory_space<hbm>> -> memref<1024xf32, #tpu.memory_space<hbm>>
    tpu.enqueue_dma source(%dma_start3A_9 : memref<1024xf32, #tpu.memory_space<hbm>>) target(%arg22 : memref<1024xf32, #tpu.memory_space<vmem>>) target_semaphore(%arg36 : memref<!tpu.dma_semaphore, #tpu.memory_space<semaphore_mem>>)
    %mul3A_10 = arith.constant 1264 : i32
    %mul3A_11 = arith.muli %arg1, %mul3A_10 : i32
    %dma_start3A_12 = tpu.memref_slice %arg5[%mul3A_11] : memref<20224xi32, #tpu.memory_space<hbm>> -> memref<1264xi32, #tpu.memory_space<hbm>>
    %dma_start3A_13 = tpu.memref_slice %arg5[%mul3A_11] : memref<20224xi32, #tpu.memory_space<hbm>> -> memref<1264xi32, #tpu.memory_space<hbm>>
    tpu.enqueue_dma source(%dma_start3A_13 : memref<1264xi32, #tpu.memory_space<hbm>>) target(%arg23 : memref<1264xi32, #tpu.memory_space<vmem>>) target_semaphore(%arg36 : memref<!tpu.dma_semaphore, #tpu.memory_space<semaphore_mem>>)
    %mul3A_14 = arith.constant 1264 : i32
    %mul3A_15 = arith.muli %arg1, %mul3A_14 : i32
    %dma_start3A_16 = tpu.memref_slice %arg6[%mul3A_15] : memref<20224xi32, #tpu.memory_space<hbm>> -> memref<1264xi32, #tpu.memory_space<hbm>>
    %dma_start3A_17 = tpu.memref_slice %arg6[%mul3A_15] : memref<20224xi32, #tpu.memory_space<hbm>> -> memref<1264xi32, #tpu.memory_space<hbm>>
    tpu.enqueue_dma source(%dma_start3A_17 : memref<1264xi32, #tpu.memory_space<hbm>>) target(%arg24 : memref<1264xi32, #tpu.memory_space<vmem>>) target_semaphore(%arg36 : memref<!tpu.dma_semaphore, #tpu.memory_space<semaphore_mem>>)
    %mul3A_18 = arith.constant 1264 : i32
    %mul3A_19 = arith.muli %arg1, %mul3A_18 : i32
    %dma_start3A_20 = tpu.memref_slice %arg7[%mul3A_19] : memref<20224xi32, #tpu.memory_space<hbm>> -> memref<1264xi32, #tpu.memory_space<hbm>>
    %dma_start3A_21 = tpu.memref_slice %arg7[%mul3A_19] : memref<20224xi32, #tpu.memory_space<hbm>> -> memref<1264xi32, #tpu.memory_space<hbm>>
    tpu.enqueue_dma source(%dma_start3A_21 : memref<1264xi32, #tpu.memory_space<hbm>>) target(%arg25 : memref<1264xi32, #tpu.memory_space<vmem>>) target_semaphore(%arg36 : memref<!tpu.dma_semaphore, #tpu.memory_space<semaphore_mem>>)
    %mul3A_22 = arith.constant 1264 : i32
    %mul3A_23 = arith.muli %arg1, %mul3A_22 : i32
    %dma_start3A_24 = tpu.memref_slice %arg8[%mul3A_23] : memref<20224xf32, #tpu.memory_space<hbm>> -> memref<1264xf32, #tpu.memory_space<hbm>>
    %dma_start3A_25 = tpu.memref_slice %arg8[%mul3A_23] : memref<20224xf32, #tpu.memory_space<hbm>> -> memref<1264xf32, #tpu.memory_space<hbm>>
    tpu.enqueue_dma source(%dma_start3A_25 : memref<1264xf32, #tpu.memory_space<hbm>>) target(%arg26 : memref<1264xf32, #tpu.memory_space<vmem>>) target_semaphore(%arg36 : memref<!tpu.dma_semaphore, #tpu.memory_space<semaphore_mem>>)
    %mul3A_26 = arith.constant 1264 : i32
    %mul3A_27 = arith.muli %arg1, %mul3A_26 : i32
    %dma_start3A_28 = tpu.memref_slice %arg9[%mul3A_27] : memref<20224xf32, #tpu.memory_space<hbm>> -> memref<1264xf32, #tpu.memory_space<hbm>>
    %dma_start3A_29 = tpu.memref_slice %arg9[%mul3A_27] : memref<20224xf32, #tpu.memory_space<hbm>> -> memref<1264xf32, #tpu.memory_space<hbm>>
    tpu.enqueue_dma source(%dma_start3A_29 : memref<1264xf32, #tpu.memory_space<hbm>>) target(%arg27 : memref<1264xf32, #tpu.memory_space<vmem>>) target_semaphore(%arg36 : memref<!tpu.dma_semaphore, #tpu.memory_space<semaphore_mem>>)
    %mul3A_30 = arith.constant 1264 : i32
    %mul3A_31 = arith.muli %arg1, %mul3A_30 : i32
    %dma_start3A_32 = tpu.memref_slice %arg10[%mul3A_31] : memref<20224xf32, #tpu.memory_space<hbm>> -> memref<1264xf32, #tpu.memory_space<hbm>>
    %dma_start3A_33 = tpu.memref_slice %arg10[%mul3A_31] : memref<20224xf32, #tpu.memory_space<hbm>> -> memref<1264xf32, #tpu.memory_space<hbm>>
    tpu.enqueue_dma source(%dma_start3A_33 : memref<1264xf32, #tpu.memory_space<hbm>>) target(%arg28 : memref<1264xf32, #tpu.memory_space<vmem>>) target_semaphore(%arg36 : memref<!tpu.dma_semaphore, #tpu.memory_space<semaphore_mem>>)
    %mul3A_34 = arith.constant 5008 : i32
    %mul3A_35 = arith.muli %arg1, %mul3A_34 : i32
    %dma_start3A_36 = tpu.memref_slice %arg11[%mul3A_35] : memref<80128xi32, #tpu.memory_space<hbm>> -> memref<5008xi32, #tpu.memory_space<hbm>>
    %dma_start3A_37 = tpu.memref_slice %arg11[%mul3A_35] : memref<80128xi32, #tpu.memory_space<hbm>> -> memref<5008xi32, #tpu.memory_space<hbm>>
    tpu.enqueue_dma source(%dma_start3A_37 : memref<5008xi32, #tpu.memory_space<hbm>>) target(%arg29 : memref<5008xi32, #tpu.memory_space<vmem>>) target_semaphore(%arg36 : memref<!tpu.dma_semaphore, #tpu.memory_space<semaphore_mem>>)
    %mul3A_38 = arith.constant 5008 : i32
    %mul3A_39 = arith.muli %arg1, %mul3A_38 : i32
    %dma_start3A_40 = tpu.memref_slice %arg12[%mul3A_39] : memref<80128xi32, #tpu.memory_space<hbm>> -> memref<5008xi32, #tpu.memory_space<hbm>>
    %dma_start3A_41 = tpu.memref_slice %arg12[%mul3A_39] : memref<80128xi32, #tpu.memory_space<hbm>> -> memref<5008xi32, #tpu.memory_space<hbm>>
    tpu.enqueue_dma source(%dma_start3A_41 : memref<5008xi32, #tpu.memory_space<hbm>>) target(%arg30 : memref<5008xi32, #tpu.memory_space<vmem>>) target_semaphore(%arg36 : memref<!tpu.dma_semaphore, #tpu.memory_space<semaphore_mem>>)
    %mul3A_42 = arith.constant 5008 : i32
    %mul3A_43 = arith.muli %arg1, %mul3A_42 : i32
    %dma_start3A_44 = tpu.memref_slice %arg13[%mul3A_43] : memref<80128xi32, #tpu.memory_space<hbm>> -> memref<5008xi32, #tpu.memory_space<hbm>>
    %dma_start3A_45 = tpu.memref_slice %arg13[%mul3A_43] : memref<80128xi32, #tpu.memory_space<hbm>> -> memref<5008xi32, #tpu.memory_space<hbm>>
    tpu.enqueue_dma source(%dma_start3A_45 : memref<5008xi32, #tpu.memory_space<hbm>>) target(%arg31 : memref<5008xi32, #tpu.memory_space<vmem>>) target_semaphore(%arg36 : memref<!tpu.dma_semaphore, #tpu.memory_space<semaphore_mem>>)
    %mul3A_46 = arith.constant 5008 : i32
    %mul3A_47 = arith.muli %arg1, %mul3A_46 : i32
    %dma_start3A_48 = tpu.memref_slice %arg14[%mul3A_47] : memref<80128xi32, #tpu.memory_space<hbm>> -> memref<5008xi32, #tpu.memory_space<hbm>>
    %dma_start3A_49 = tpu.memref_slice %arg14[%mul3A_47] : memref<80128xi32, #tpu.memory_space<hbm>> -> memref<5008xi32, #tpu.memory_space<hbm>>
    tpu.enqueue_dma source(%dma_start3A_49 : memref<5008xi32, #tpu.memory_space<hbm>>) target(%arg32 : memref<5008xi32, #tpu.memory_space<vmem>>) target_semaphore(%arg36 : memref<!tpu.dma_semaphore, #tpu.memory_space<semaphore_mem>>)
    %mul3A_50 = arith.constant 5008 : i32
    %mul3A_51 = arith.muli %arg1, %mul3A_50 : i32
    %dma_start3A_52 = tpu.memref_slice %arg15[%mul3A_51] : memref<80128xf32, #tpu.memory_space<hbm>> -> memref<5008xf32, #tpu.memory_space<hbm>>
    %dma_start3A_53 = tpu.memref_slice %arg15[%mul3A_51] : memref<80128xf32, #tpu.memory_space<hbm>> -> memref<5008xf32, #tpu.memory_space<hbm>>
    tpu.enqueue_dma source(%dma_start3A_53 : memref<5008xf32, #tpu.memory_space<hbm>>) target(%arg33 : memref<5008xf32, #tpu.memory_space<vmem>>) target_semaphore(%arg36 : memref<!tpu.dma_semaphore, #tpu.memory_space<semaphore_mem>>)
    %mul3A_54 = arith.constant 5008 : i32
    %mul3A_55 = arith.muli %arg1, %mul3A_54 : i32
    %dma_start3A_56 = tpu.memref_slice %arg16[%mul3A_55] : memref<80128xf32, #tpu.memory_space<hbm>> -> memref<5008xf32, #tpu.memory_space<hbm>>
    %dma_start3A_57 = tpu.memref_slice %arg16[%mul3A_55] : memref<80128xf32, #tpu.memory_space<hbm>> -> memref<5008xf32, #tpu.memory_space<hbm>>
    tpu.enqueue_dma source(%dma_start3A_57 : memref<5008xf32, #tpu.memory_space<hbm>>) target(%arg34 : memref<5008xf32, #tpu.memory_space<vmem>>) target_semaphore(%arg36 : memref<!tpu.dma_semaphore, #tpu.memory_space<semaphore_mem>>)
    %mul3A_58 = arith.constant 5008 : i32
    %mul3A_59 = arith.muli %arg1, %mul3A_58 : i32
    %dma_start3A_60 = tpu.memref_slice %arg17[%mul3A_59] : memref<80128xf32, #tpu.memory_space<hbm>> -> memref<5008xf32, #tpu.memory_space<hbm>>
    %dma_start3A_61 = tpu.memref_slice %arg17[%mul3A_59] : memref<80128xf32, #tpu.memory_space<hbm>> -> memref<5008xf32, #tpu.memory_space<hbm>>
    tpu.enqueue_dma source(%dma_start3A_61 : memref<5008xf32, #tpu.memory_space<hbm>>) target(%arg35 : memref<5008xf32, #tpu.memory_space<vmem>>) target_semaphore(%arg36 : memref<!tpu.dma_semaphore, #tpu.memory_space<semaphore_mem>>)
    %broadcast_in_dim3A = arith.constant 0.000000e+00 : f32
    %broadcast_in_dim3A_62 = vector.broadcast %broadcast_in_dim3A : f32 to vector<16xf32>
    %scan3A = arith.constant 0 : i32
    %scan3A_63 = arith.constant 0 : i32
    %scan3A_64 = arith.constant 256 : i32
    %scan3A_65 = arith.addi %scan3A_63, %scan3A_64 : i32
    %scan3A_66 = arith.constant 1 : i32
    scf.for %scan3A_111 = %scan3A_63 to %scan3A_65 step %scan3A_66  : i32 {
      %mul3A_112 = arith.constant 128 : i32
      %mul3A_113 = arith.muli %scan3A_111, %mul3A_112 : i32
      %add3A = arith.constant 0 : i32
      %add3A_114 = arith.addi %mul3A_113, %add3A : i32
      %swap3A = arith.index_cast %add3A_114 : i32 to index
      %swap3A_115 = tpu.vector_load %arg20[%swap3A] {strides = array<i32>} : memref<32768xf32, #tpu.memory_space<vmem>>, vector<16xf32>,
      tpu.vector_store %arg20[%swap3A], %broadcast_in_dim3A_62 {strides = array<i32>} : memref<32768xf32, #tpu.memory_space<vmem>>, vector<16xf32>,
      %mul3A_116 = arith.constant 128 : i32
      %mul3A_117 = arith.muli %scan3A_111, %mul3A_116 : i32
      %add3A_118 = arith.constant 16 : i32
      %add3A_119 = arith.addi %mul3A_117, %add3A_118 : i32
      %swap3A_120 = arith.index_cast %add3A_119 : i32 to index
      %swap3A_121 = tpu.vector_load %arg20[%swap3A_120] {strides = array<i32>} : memref<32768xf32, #tpu.memory_space<vmem>>, vector<16xf32>,
      tpu.vector_store %arg20[%swap3A_120], %broadcast_in_dim3A_62 {strides = array<i32>} : memref<32768xf32, #tpu.memory_space<vmem>>, vector<16xf32>,
      %mul3A_122 = arith.constant 128 : i32
      %mul3A_123 = arith.muli %scan3A_111, %mul3A_122 : i32
      %add3A_124 = arith.constant 32 : i32
      %add3A_125 = arith.addi %mul3A_123, %add3A_124 : i32
      %swap3A_126 = arith.index_cast %add3A_125 : i32 to index
      %swap3A_127 = tpu.vector_load %arg20[%swap3A_126] {strides = array<i32>} : memref<32768xf32, #tpu.memory_space<vmem>>, vector<16xf32>,
      tpu.vector_store %arg20[%swap3A_126], %broadcast_in_dim3A_62 {strides = array<i32>} : memref<32768xf32, #tpu.memory_space<vmem>>, vector<16xf32>,
      %mul3A_128 = arith.constant 128 : i32
      %mul3A_129 = arith.muli %scan3A_111, %mul3A_128 : i32
      %add3A_130 = arith.constant 48 : i32
      %add3A_131 = arith.addi %mul3A_129, %add3A_130 : i32
      %swap3A_132 = arith.index_cast %add3A_131 : i32 to index
      %swap3A_133 = tpu.vector_load %arg20[%swap3A_132] {strides = array<i32>} : memref<32768xf32, #tpu.memory_space<vmem>>, vector<16xf32>,
      tpu.vector_store %arg20[%swap3A_132], %broadcast_in_dim3A_62 {strides = array<i32>} : memref<32768xf32, #tpu.memory_space<vmem>>, vector<16xf32>,
      %mul3A_134 = arith.constant 128 : i32
      %mul3A_135 = arith.muli %scan3A_111, %mul3A_134 : i32
      %add3A_136 = arith.constant 64 : i32
      %add3A_137 = arith.addi %mul3A_135, %add3A_136 : i32
      %swap3A_138 = arith.index_cast %add3A_137 : i32 to index
      %swap3A_139 = tpu.vector_load %arg20[%swap3A_138] {strides = array<i32>} : memref<32768xf32, #tpu.memory_space<vmem>>, vector<16xf32>,
      tpu.vector_store %arg20[%swap3A_138], %broadcast_in_dim3A_62 {strides = array<i32>} : memref<32768xf32, #tpu.memory_space<vmem>>, vector<16xf32>,
      %mul3A_140 = arith.constant 128 : i32
      %mul3A_141 = arith.muli %scan3A_111, %mul3A_140 : i32
      %add3A_142 = arith.constant 80 : i32
      %add3A_143 = arith.addi %mul3A_141, %add3A_142 : i32
      %swap3A_144 = arith.index_cast %add3A_143 : i32 to index
      %swap3A_145 = tpu.vector_load %arg20[%swap3A_144] {strides = array<i32>} : memref<32768xf32, #tpu.memory_space<vmem>>, vector<16xf32>,
      tpu.vector_store %arg20[%swap3A_144], %broadcast_in_dim3A_62 {strides = array<i32>} : memref<32768xf32, #tpu.memory_space<vmem>>, vector<16xf32>,
      %mul3A_146 = arith.constant 128 : i32
      %mul3A_147 = arith.muli %scan3A_111, %mul3A_146 : i32
      %add3A_148 = arith.constant 96 : i32
      %add3A_149 = arith.addi %mul3A_147, %add3A_148 : i32
      %swap3A_150 = arith.index_cast %add3A_149 : i32 to index
      %swap3A_151 = tpu.vector_load %arg20[%swap3A_150] {strides = array<i32>} : memref<32768xf32, #tpu.memory_space<vmem>>, vector<16xf32>,
      tpu.vector_store %arg20[%swap3A_150], %broadcast_in_dim3A_62 {strides = array<i32>} : memref<32768xf32, #tpu.memory_space<vmem>>, vector<16xf32>,
      %mul3A_152 = arith.constant 128 : i32
      %mul3A_153 = arith.muli %scan3A_111, %mul3A_152 : i32
      %add3A_154 = arith.constant 112 : i32
      %add3A_155 = arith.addi %mul3A_153, %add3A_154 : i32
      %swap3A_156 = arith.index_cast %add3A_155 : i32 to index
      %swap3A_157 = tpu.vector_load %arg20[%swap3A_156] {strides = array<i32>} : memref<32768xf32, #tpu.memory_space<vmem>>, vector<16xf32>,
      tpu.vector_store %arg20[%swap3A_156], %broadcast_in_dim3A_62 {strides = array<i32>} : memref<32768xf32, #tpu.memory_space<vmem>>, vector<16xf32>,
    }
    %scan3A_67 = arith.constant 256 : i32
    %dma_wait3A = tpu.memref_slice %arg2[%mul3A_0] : memref<65536xf32, #tpu.memory_space<hbm>> -> memref<32768xf32, #tpu.memory_space<hbm>>
    %dma_wait3A_68 = tpu.memref_slice %arg2[%mul3A_0] : memref<65536xf32, #tpu.memory_space<hbm>> -> memref<32768xf32, #tpu.memory_space<hbm>>
    tpu.wait_dma2 semaphore(%arg36 : memref<!tpu.dma_semaphore, #tpu.memory_space<semaphore_mem>>) src(%dma_wait3A_68 : memref<32768xf32, #tpu.memory_space<hbm>>) dst(%arg19 : memref<32768xf32, #tpu.memory_space<vmem>>)
    %dma_wait3A_69 = tpu.memref_slice %arg3[%mul3A_3] : memref<2048xf32, #tpu.memory_space<hbm>> -> memref<1024xf32, #tpu.memory_space<hbm>>
    %dma_wait3A_70 = tpu.memref_slice %arg3[%mul3A_3] : memref<2048xf32, #tpu.memory_space<hbm>> -> memref<1024xf32, #tpu.memory_space<hbm>>
    tpu.wait_dma2 semaphore(%arg36 : memref<!tpu.dma_semaphore, #tpu.memory_space<semaphore_mem>>) src(%dma_wait3A_70 : memref<1024xf32, #tpu.memory_space<hbm>>) dst(%arg21 : memref<1024xf32, #tpu.memory_space<vmem>>)
    %dma_wait3A_71 = tpu.memref_slice %arg4[%mul3A_7] : memref<2048xf32, #tpu.memory_space<hbm>> -> memref<1024xf32, #tpu.memory_space<hbm>>
    %dma_wait3A_72 = tpu.memref_slice %arg4[%mul3A_7] : memref<2048xf32, #tpu.memory_space<hbm>> -> memref<1024xf32, #tpu.memory_space<hbm>>
    tpu.wait_dma2 semaphore(%arg36 : memref<!tpu.dma_semaphore, #tpu.memory_space<semaphore_mem>>) src(%dma_wait3A_72 : memref<1024xf32, #tpu.memory_space<hbm>>) dst(%arg22 : memref<1024xf32, #tpu.memory_space<vmem>>)
    %dma_wait3A_73 = tpu.memref_slice %arg5[%mul3A_11] : memref<20224xi32, #tpu.memory_space<hbm>> -> memref<1264xi32, #tpu.memory_space<hbm>>
    %dma_wait3A_74 = tpu.memref_slice %arg5[%mul3A_11] : memref<20224xi32, #tpu.memory_space<hbm>> -> memref<1264xi32, #tpu.memory_space<hbm>>
    tpu.wait_dma2 semaphore(%arg36 : memref<!tpu.dma_semaphore, #tpu.memory_space<semaphore_mem>>) src(%dma_wait3A_74 : memref<1264xi32, #tpu.memory_space<hbm>>) dst(%arg23 : memref<1264xi32, #tpu.memory_space<vmem>>)
    %dma_wait3A_75 = tpu.memref_slice %arg6[%mul3A_15] : memref<20224xi32, #tpu.memory_space<hbm>> -> memref<1264xi32, #tpu.memory_space<hbm>>
    %dma_wait3A_76 = tpu.memref_slice %arg6[%mul3A_15] : memref<20224xi32, #tpu.memory_space<hbm>> -> memref<1264xi32, #tpu.memory_space<hbm>>
    tpu.wait_dma2 semaphore(%arg36 : memref<!tpu.dma_semaphore, #tpu.memory_space<semaphore_mem>>) src(%dma_wait3A_76 : memref<1264xi32, #tpu.memory_space<hbm>>) dst(%arg24 : memref<1264xi32, #tpu.memory_space<vmem>>)
    %dma_wait3A_77 = tpu.memref_slice %arg7[%mul3A_19] : memref<20224xi32, #tpu.memory_space<hbm>> -> memref<1264xi32, #tpu.memory_space<hbm>>
    %dma_wait3A_78 = tpu.memref_slice %arg7[%mul3A_19] : memref<20224xi32, #tpu.memory_space<hbm>> -> memref<1264xi32, #tpu.memory_space<hbm>>
    tpu.wait_dma2 semaphore(%arg36 : memref<!tpu.dma_semaphore, #tpu.memory_space<semaphore_mem>>) src(%dma_wait3A_78 : memref<1264xi32, #tpu.memory_space<hbm>>) dst(%arg25 : memref<1264xi32, #tpu.memory_space<vmem>>)
    %dma_wait3A_79 = tpu.memref_slice %arg8[%mul3A_23] : memref<20224xf32, #tpu.memory_space<hbm>> -> memref<1264xf32, #tpu.memory_space<hbm>>
    %dma_wait3A_80 = tpu.memref_slice %arg8[%mul3A_23] : memref<20224xf32, #tpu.memory_space<hbm>> -> memref<1264xf32, #tpu.memory_space<hbm>>
    tpu.wait_dma2 semaphore(%arg36 : memref<!tpu.dma_semaphore, #tpu.memory_space<semaphore_mem>>) src(%dma_wait3A_80 : memref<1264xf32, #tpu.memory_space<hbm>>) dst(%arg26 : memref<1264xf32, #tpu.memory_space<vmem>>)
    %dma_wait3A_81 = tpu.memref_slice %arg9[%mul3A_27] : memref<20224xf32, #tpu.memory_space<hbm>> -> memref<1264xf32, #tpu.memory_space<hbm>>
    %dma_wait3A_82 = tpu.memref_slice %arg9[%mul3A_27] : memref<20224xf32, #tpu.memory_space<hbm>> -> memref<1264xf32, #tpu.memory_space<hbm>>
    tpu.wait_dma2 semaphore(%arg36 : memref<!tpu.dma_semaphore, #tpu.memory_space<semaphore_mem>>) src(%dma_wait3A_82 : memref<1264xf32, #tpu.memory_space<hbm>>) dst(%arg27 : memref<1264xf32, #tpu.memory_space<vmem>>)
    %dma_wait3A_83 = tpu.memref_slice %arg10[%mul3A_31] : memref<20224xf32, #tpu.memory_space<hbm>> -> memref<1264xf32, #tpu.memory_space<hbm>>
    %dma_wait3A_84 = tpu.memref_slice %arg10[%mul3A_31] : memref<20224xf32, #tpu.memory_space<hbm>> -> memref<1264xf32, #tpu.memory_space<hbm>>
    tpu.wait_dma2 semaphore(%arg36 : memref<!tpu.dma_semaphore, #tpu.memory_space<semaphore_mem>>) src(%dma_wait3A_84 : memref<1264xf32, #tpu.memory_space<hbm>>) dst(%arg28 : memref<1264xf32, #tpu.memory_space<vmem>>)
    %dma_wait3A_85 = tpu.memref_slice %arg11[%mul3A_35] : memref<80128xi32, #tpu.memory_space<hbm>> -> memref<5008xi32, #tpu.memory_space<hbm>>
    %dma_wait3A_86 = tpu.memref_slice %arg11[%mul3A_35] : memref<80128xi32, #tpu.memory_space<hbm>> -> memref<5008xi32, #tpu.memory_space<hbm>>
    tpu.wait_dma2 semaphore(%arg36 : memref<!tpu.dma_semaphore, #tpu.memory_space<semaphore_mem>>) src(%dma_wait3A_86 : memref<5008xi32, #tpu.memory_space<hbm>>) dst(%arg29 : memref<5008xi32, #tpu.memory_space<vmem>>)
    %dma_wait3A_87 = tpu.memref_slice %arg12[%mul3A_39] : memref<80128xi32, #tpu.memory_space<hbm>> -> memref<5008xi32, #tpu.memory_space<hbm>>
    %dma_wait3A_88 = tpu.memref_slice %arg12[%mul3A_39] : memref<80128xi32, #tpu.memory_space<hbm>> -> memref<5008xi32, #tpu.memory_space<hbm>>
    tpu.wait_dma2 semaphore(%arg36 : memref<!tpu.dma_semaphore, #tpu.memory_space<semaphore_mem>>) src(%dma_wait3A_88 : memref<5008xi32, #tpu.memory_space<hbm>>) dst(%arg30 : memref<5008xi32, #tpu.memory_space<vmem>>)
    %dma_wait3A_89 = tpu.memref_slice %arg13[%mul3A_43] : memref<80128xi32, #tpu.memory_space<hbm>> -> memref<5008xi32, #tpu.memory_space<hbm>>
    %dma_wait3A_90 = tpu.memref_slice %arg13[%mul3A_43] : memref<80128xi32, #tpu.memory_space<hbm>> -> memref<5008xi32, #tpu.memory_space<hbm>>
    tpu.wait_dma2 semaphore(%arg36 : memref<!tpu.dma_semaphore, #tpu.memory_space<semaphore_mem>>) src(%dma_wait3A_90 : memref<5008xi32, #tpu.memory_space<hbm>>) dst(%arg31 : memref<5008xi32, #tpu.memory_space<vmem>>)
    %dma_wait3A_91 = tpu.memref_slice %arg14[%mul3A_47] : memref<80128xi32, #tpu.memory_space<hbm>> -> memref<5008xi32, #tpu.memory_space<hbm>>
    %dma_wait3A_92 = tpu.memref_slice %arg14[%mul3A_47] : memref<80128xi32, #tpu.memory_space<hbm>> -> memref<5008xi32, #tpu.memory_space<hbm>>
    tpu.wait_dma2 semaphore(%arg36 : memref<!tpu.dma_semaphore, #tpu.memory_space<semaphore_mem>>) src(%dma_wait3A_92 : memref<5008xi32, #tpu.memory_space<hbm>>) dst(%arg32 : memref<5008xi32, #tpu.memory_space<vmem>>)
    %dma_wait3A_93 = tpu.memref_slice %arg15[%mul3A_51] : memref<80128xf32, #tpu.memory_space<hbm>> -> memref<5008xf32, #tpu.memory_space<hbm>>
    %dma_wait3A_94 = tpu.memref_slice %arg15[%mul3A_51] : memref<80128xf32, #tpu.memory_space<hbm>> -> memref<5008xf32, #tpu.memory_space<hbm>>
    tpu.wait_dma2 semaphore(%arg36 : memref<!tpu.dma_semaphore, #tpu.memory_space<semaphore_mem>>) src(%dma_wait3A_94 : memref<5008xf32, #tpu.memory_space<hbm>>) dst(%arg33 : memref<5008xf32, #tpu.memory_space<vmem>>)
    %dma_wait3A_95 = tpu.memref_slice %arg16[%mul3A_55] : memref<80128xf32, #tpu.memory_space<hbm>> -> memref<5008xf32, #tpu.memory_space<hbm>>
    %dma_wait3A_96 = tpu.memref_slice %arg16[%mul3A_55] : memref<80128xf32, #tpu.memory_space<hbm>> -> memref<5008xf32, #tpu.memory_space<hbm>>
    tpu.wait_dma2 semaphore(%arg36 : memref<!tpu.dma_semaphore, #tpu.memory_space<semaphore_mem>>) src(%dma_wait3A_96 : memref<5008xf32, #tpu.memory_space<hbm>>) dst(%arg34 : memref<5008xf32, #tpu.memory_space<vmem>>)
    %dma_wait3A_97 = tpu.memref_slice %arg17[%mul3A_59] : memref<80128xf32, #tpu.memory_space<hbm>> -> memref<5008xf32, #tpu.memory_space<hbm>>
    %dma_wait3A_98 = tpu.memref_slice %arg17[%mul3A_59] : memref<80128xf32, #tpu.memory_space<hbm>> -> memref<5008xf32, #tpu.memory_space<hbm>>
    tpu.wait_dma2 semaphore(%arg36 : memref<!tpu.dma_semaphore, #tpu.memory_space<semaphore_mem>>) src(%dma_wait3A_98 : memref<5008xf32, #tpu.memory_space<hbm>>) dst(%arg35 : memref<5008xf32, #tpu.memory_space<vmem>>)
    %scan3A_99 = arith.constant 0 : i32
    %scan3A_100 = arith.constant 0 : i32
    %scan3A_101 = arith.constant 313 : i32
    %scan3A_102 = arith.addi %scan3A_100, %scan3A_101 : i32
    %scan3A_103 = arith.constant 1 : i32
    scf.for %scan3A_111 = %scan3A_100 to %scan3A_102 step %scan3A_103  : i32 {
      %mul3A_112 = arith.constant 16 : i32
      %mul3A_113 = arith.muli %scan3A_111, %mul3A_112 : i32
      %get3A = arith.index_cast %mul3A_113 : i32 to index
      %get3A_114 = tpu.vector_load %arg29[%get3A] {strides = array<i32>} : memref<5008xi32, #tpu.memory_space<vmem>>, vector<16xi32>,
      %get3A_115 = arith.index_cast %mul3A_113 : i32 to index
      %get3A_116 = tpu.vector_load %arg30[%get3A_115] {strides = array<i32>} : memref<5008xi32, #tpu.memory_space<vmem>>, vector<16xi32>,
      %get3A_117 = arith.index_cast %mul3A_113 : i32 to index
      %get3A_118 = tpu.vector_load %arg31[%get3A_117] {strides = array<i32>} : memref<5008xi32, #tpu.memory_space<vmem>>, vector<16xi32>,
      %get3A_119 = arith.index_cast %mul3A_113 : i32 to index
      %get3A_120 = tpu.vector_load %arg32[%get3A_119] {strides = array<i32>} : memref<5008xi32, #tpu.memory_space<vmem>>, vector<16xi32>,
      %get3A_121 = arith.index_cast %mul3A_113 : i32 to index
      %get3A_122 = tpu.vector_load %arg33[%get3A_121] {strides = array<i32>} : memref<5008xf32, #tpu.memory_space<vmem>>, vector<16xf32>,
      %get3A_123 = arith.index_cast %mul3A_113 : i32 to index
      %get3A_124 = tpu.vector_load %arg34[%get3A_123] {strides = array<i32>} : memref<5008xf32, #tpu.memory_space<vmem>>, vector<16xf32>,
      %get3A_125 = arith.index_cast %mul3A_113 : i32 to index
      %get3A_126 = tpu.vector_load %arg35[%get3A_125] {strides = array<i32>} : memref<5008xf32, #tpu.memory_space<vmem>>, vector<16xf32>,
      %scan3A_127 = arith.constant 0 : i32
      %scan3A_128 = arith.constant 0 : i32
      %scan3A_129 = arith.constant 8 : i32
      %scan3A_130 = arith.addi %scan3A_128, %scan3A_129 : i32
      %scan3A_131 = arith.constant 1 : i32
      scf.for %scan3A_133 = %scan3A_128 to %scan3A_130 step %scan3A_131  : i32 {
        %mul3A_134 = arith.constant 8 : i32
        %mul3A_135 = arith.muli %scan3A_133, %mul3A_134 : i32
        %add3A = arith.constant 0 : i32
        %add3A_136 = arith.addi %mul3A_135, %add3A : i32
        %mul3A_137 = arith.constant 16 : i32
        %mul3A_138 = arith.muli %add3A_136, %mul3A_137 : i32
        %get3A_139 = arith.index_cast %mul3A_138 : i32 to index
        %get3A_140 = tpu.vector_load %arg21[%get3A_139] {strides = array<i32>} : memref<1024xf32, #tpu.memory_space<vmem>>, vector<16xf32>,
        %mul3A_141 = arith.constant 16 : i32
        %mul3A_142 = arith.muli %add3A_136, %mul3A_141 : i32
        %get3A_143 = arith.index_cast %mul3A_142 : i32 to index
        %get3A_144 = tpu.vector_load %arg22[%get3A_143] {strides = array<i32>} : memref<1024xf32, #tpu.memory_space<vmem>>, vector<16xf32>,
        %mul3A_145 = arith.constant 512 : i32
        %mul3A_146 = arith.muli %add3A_136, %mul3A_145 : i32
        %gather3A = tpu.memref_slice %arg19[%mul3A_146] : memref<32768xf32, #tpu.memory_space<vmem>> -> memref<512xf32, #tpu.memory_space<vmem>>
        %gather3A_147 = tpu.vector_load_idx %gather3A[%get3A_114] : memref<512xf32, #tpu.memory_space<vmem>>[vector<16xi32>], vector<16xf32>,
        %gather3A_148 = tpu.memref_slice %arg19[%mul3A_146] : memref<32768xf32, #tpu.memory_space<vmem>> -> memref<512xf32, #tpu.memory_space<vmem>>
        %gather3A_149 = tpu.vector_load_idx %gather3A_148[%get3A_116] : memref<512xf32, #tpu.memory_space<vmem>>[vector<16xi32>], vector<16xf32>,
        %mul3A_150 = arith.mulf %get3A_124, %get3A_140 : vector<16xf32>
        %mul3A_151 = arith.mulf %get3A_126, %get3A_144 : vector<16xf32>
        %add3A_152 = arith.addf %mul3A_150, %mul3A_151 : vector<16xf32>
        %exp3A = math.exp %add3A_152 : vector<16xf32>
        %mul3A_153 = arith.mulf %get3A_122, %exp3A : vector<16xf32>
        %mul3A_154 = arith.mulf %mul3A_153, %gather3A_147 : vector<16xf32>
        %mul3A_155 = arith.mulf %mul3A_154, %gather3A_149 : vector<16xf32>
        %mul3A_156 = arith.constant 8 : i32
        %mul3A_157 = arith.muli %scan3A_133, %mul3A_156 : i32
        %add3A_158 = arith.constant 1 : i32
        %add3A_159 = arith.addi %mul3A_157, %add3A_158 : i32
        %mul3A_160 = arith.constant 16 : i32
        %mul3A_161 = arith.muli %add3A_159, %mul3A_160 : i32
        %get3A_162 = arith.index_cast %mul3A_161 : i32 to index
        %get3A_163 = tpu.vector_load %arg21[%get3A_162] {strides = array<i32>} : memref<1024xf32, #tpu.memory_space<vmem>>, vector<16xf32>,
        %mul3A_164 = arith.constant 16 : i32
        %mul3A_165 = arith.muli %add3A_159, %mul3A_164 : i32
        %get3A_166 = arith.index_cast %mul3A_165 : i32 to index
        %get3A_167 = tpu.vector_load %arg22[%get3A_166] {strides = array<i32>} : memref<1024xf32, #tpu.memory_space<vmem>>, vector<16xf32>,
        %mul3A_168 = arith.constant 512 : i32
        %mul3A_169 = arith.muli %add3A_159, %mul3A_168 : i32
        %gather3A_170 = tpu.memref_slice %arg19[%mul3A_169] : memref<32768xf32, #tpu.memory_space<vmem>> -> memref<512xf32, #tpu.memory_space<vmem>>
        %gather3A_171 = tpu.vector_load_idx %gather3A_170[%get3A_114] : memref<512xf32, #tpu.memory_space<vmem>>[vector<16xi32>], vector<16xf32>,
        %gather3A_172 = tpu.memref_slice %arg19[%mul3A_169] : memref<32768xf32, #tpu.memory_space<vmem>> -> memref<512xf32, #tpu.memory_space<vmem>>
        %gather3A_173 = tpu.vector_load_idx %gather3A_172[%get3A_116] : memref<512xf32, #tpu.memory_space<vmem>>[vector<16xi32>], vector<16xf32>,
        %mul3A_174 = arith.mulf %get3A_124, %get3A_163 : vector<16xf32>
        %mul3A_175 = arith.mulf %get3A_126, %get3A_167 : vector<16xf32>
        %add3A_176 = arith.addf %mul3A_174, %mul3A_175 : vector<16xf32>
        %exp3A_177 = math.exp %add3A_176 : vector<16xf32>
        %mul3A_178 = arith.mulf %get3A_122, %exp3A_177 : vector<16xf32>
        %mul3A_179 = arith.mulf %mul3A_178, %gather3A_171 : vector<16xf32>
        %mul3A_180 = arith.mulf %mul3A_179, %gather3A_173 : vector<16xf32>
        %mul3A_181 = arith.constant 8 : i32
        %mul3A_182 = arith.muli %scan3A_133, %mul3A_181 : i32
        %add3A_183 = arith.constant 2 : i32
        %add3A_184 = arith.addi %mul3A_182, %add3A_183 : i32
        %mul3A_185 = arith.constant 16 : i32
        %mul3A_186 = arith.muli %add3A_184, %mul3A_185 : i32
        %get3A_187 = arith.index_cast %mul3A_186 : i32 to index
        %get3A_188 = tpu.vector_load %arg21[%get3A_187] {strides = array<i32>} : memref<1024xf32, #tpu.memory_space<vmem>>, vector<16xf32>,
        %mul3A_189 = arith.constant 16 : i32
        %mul3A_190 = arith.muli %add3A_184, %mul3A_189 : i32
        %get3A_191 = arith.index_cast %mul3A_190 : i32 to index
        %get3A_192 = tpu.vector_load %arg22[%get3A_191] {strides = array<i32>} : memref<1024xf32, #tpu.memory_space<vmem>>, vector<16xf32>,
        %mul3A_193 = arith.constant 512 : i32
        %mul3A_194 = arith.muli %add3A_184, %mul3A_193 : i32
        %gather3A_195 = tpu.memref_slice %arg19[%mul3A_194] : memref<32768xf32, #tpu.memory_space<vmem>> -> memref<512xf32, #tpu.memory_space<vmem>>
        %gather3A_196 = tpu.vector_load_idx %gather3A_195[%get3A_114] : memref<512xf32, #tpu.memory_space<vmem>>[vector<16xi32>], vector<16xf32>,
        %gather3A_197 = tpu.memref_slice %arg19[%mul3A_194] : memref<32768xf32, #tpu.memory_space<vmem>> -> memref<512xf32, #tpu.memory_space<vmem>>
        %gather3A_198 = tpu.vector_load_idx %gather3A_197[%get3A_116] : memref<512xf32, #tpu.memory_space<vmem>>[vector<16xi32>], vector<16xf32>,
        %mul3A_199 = arith.mulf %get3A_124, %get3A_188 : vector<16xf32>
        %mul3A_200 = arith.mulf %get3A_126, %get3A_192 : vector<16xf32>
        %add3A_201 = arith.addf %mul3A_199, %mul3A_200 : vector<16xf32>
        %exp3A_202 = math.exp %add3A_201 : vector<16xf32>
        %mul3A_203 = arith.mulf %get3A_122, %exp3A_202 : vector<16xf32>
        %mul3A_204 = arith.mulf %mul3A_203, %gather3A_196 : vector<16xf32>
        %mul3A_205 = arith.mulf %mul3A_204, %gather3A_198 : vector<16xf32>
        %mul3A_206 = arith.constant 8 : i32
        %mul3A_207 = arith.muli %scan3A_133, %mul3A_206 : i32
        %add3A_208 = arith.constant 3 : i32
        %add3A_209 = arith.addi %mul3A_207, %add3A_208 : i32
        %mul3A_210 = arith.constant 16 : i32
        %mul3A_211 = arith.muli %add3A_209, %mul3A_210 : i32
        %get3A_212 = arith.index_cast %mul3A_211 : i32 to index
        %get3A_213 = tpu.vector_load %arg21[%get3A_212] {strides = array<i32>} : memref<1024xf32, #tpu.memory_space<vmem>>, vector<16xf32>,
        %mul3A_214 = arith.constant 16 : i32
        %mul3A_215 = arith.muli %add3A_209, %mul3A_214 : i32
        %get3A_216 = arith.index_cast %mul3A_215 : i32 to index
        %get3A_217 = tpu.vector_load %arg22[%get3A_216] {strides = array<i32>} : memref<1024xf32, #tpu.memory_space<vmem>>, vector<16xf32>,
        %mul3A_218 = arith.constant 512 : i32
        %mul3A_219 = arith.muli %add3A_209, %mul3A_218 : i32
        %gather3A_220 = tpu.memref_slice %arg19[%mul3A_219] : memref<32768xf32, #tpu.memory_space<vmem>> -> memref<512xf32, #tpu.memory_space<vmem>>
        %gather3A_221 = tpu.vector_load_idx %gather3A_220[%get3A_114] : memref<512xf32, #tpu.memory_space<vmem>>[vector<16xi32>], vector<16xf32>,
        %gather3A_222 = tpu.memref_slice %arg19[%mul3A_219] : memref<32768xf32, #tpu.memory_space<vmem>> -> memref<512xf32, #tpu.memory_space<vmem>>
        %gather3A_223 = tpu.vector_load_idx %gather3A_222[%get3A_116] : memref<512xf32, #tpu.memory_space<vmem>>[vector<16xi32>], vector<16xf32>,
        %mul3A_224 = arith.mulf %get3A_124, %get3A_213 : vector<16xf32>
        %mul3A_225 = arith.mulf %get3A_126, %get3A_217 : vector<16xf32>
        %add3A_226 = arith.addf %mul3A_224, %mul3A_225 : vector<16xf32>
        %exp3A_227 = math.exp %add3A_226 : vector<16xf32>
        %mul3A_228 = arith.mulf %get3A_122, %exp3A_227 : vector<16xf32>
        %mul3A_229 = arith.mulf %mul3A_228, %gather3A_221 : vector<16xf32>
        %mul3A_230 = arith.mulf %mul3A_229, %gather3A_223 : vector<16xf32>
        %mul3A_231 = arith.constant 8 : i32
        %mul3A_232 = arith.muli %scan3A_133, %mul3A_231 : i32
        %add3A_233 = arith.constant 4 : i32
        %add3A_234 = arith.addi %mul3A_232, %add3A_233 : i32
        %mul3A_235 = arith.constant 16 : i32
        %mul3A_236 = arith.muli %add3A_234, %mul3A_235 : i32
        %get3A_237 = arith.index_cast %mul3A_236 : i32 to index
        %get3A_238 = tpu.vector_load %arg21[%get3A_237] {strides = array<i32>} : memref<1024xf32, #tpu.memory_space<vmem>>, vector<16xf32>,
        %mul3A_239 = arith.constant 16 : i32
        %mul3A_240 = arith.muli %add3A_234, %mul3A_239 : i32
        %get3A_241 = arith.index_cast %mul3A_240 : i32 to index
        %get3A_242 = tpu.vector_load %arg22[%get3A_241] {strides = array<i32>} : memref<1024xf32, #tpu.memory_space<vmem>>, vector<16xf32>,
        %mul3A_243 = arith.constant 512 : i32
        %mul3A_244 = arith.muli %add3A_234, %mul3A_243 : i32
        %gather3A_245 = tpu.memref_slice %arg19[%mul3A_244] : memref<32768xf32, #tpu.memory_space<vmem>> -> memref<512xf32, #tpu.memory_space<vmem>>
        %gather3A_246 = tpu.vector_load_idx %gather3A_245[%get3A_114] : memref<512xf32, #tpu.memory_space<vmem>>[vector<16xi32>], vector<16xf32>,
        %gather3A_247 = tpu.memref_slice %arg19[%mul3A_244] : memref<32768xf32, #tpu.memory_space<vmem>> -> memref<512xf32, #tpu.memory_space<vmem>>
        %gather3A_248 = tpu.vector_load_idx %gather3A_247[%get3A_116] : memref<512xf32, #tpu.memory_space<vmem>>[vector<16xi32>], vector<16xf32>,
        %mul3A_249 = arith.mulf %get3A_124, %get3A_238 : vector<16xf32>
        %mul3A_250 = arith.mulf %get3A_126, %get3A_242 : vector<16xf32>
        %add3A_251 = arith.addf %mul3A_249, %mul3A_250 : vector<16xf32>
        %exp3A_252 = math.exp %add3A_251 : vector<16xf32>
        %mul3A_253 = arith.mulf %get3A_122, %exp3A_252 : vector<16xf32>
        %mul3A_254 = arith.mulf %mul3A_253, %gather3A_246 : vector<16xf32>
        %mul3A_255 = arith.mulf %mul3A_254, %gather3A_248 : vector<16xf32>
        %mul3A_256 = arith.constant 8 : i32
        %mul3A_257 = arith.muli %scan3A_133, %mul3A_256 : i32
        %add3A_258 = arith.constant 5 : i32
        %add3A_259 = arith.addi %mul3A_257, %add3A_258 : i32
        %mul3A_260 = arith.constant 16 : i32
        %mul3A_261 = arith.muli %add3A_259, %mul3A_260 : i32
        %get3A_262 = arith.index_cast %mul3A_261 : i32 to index
        %get3A_263 = tpu.vector_load %arg21[%get3A_262] {strides = array<i32>} : memref<1024xf32, #tpu.memory_space<vmem>>, vector<16xf32>,
        %mul3A_264 = arith.constant 16 : i32
        %mul3A_265 = arith.muli %add3A_259, %mul3A_264 : i32
        %get3A_266 = arith.index_cast %mul3A_265 : i32 to index
        %get3A_267 = tpu.vector_load %arg22[%get3A_266] {strides = array<i32>} : memref<1024xf32, #tpu.memory_space<vmem>>, vector<16xf32>,
        %mul3A_268 = arith.constant 512 : i32
        %mul3A_269 = arith.muli %add3A_259, %mul3A_268 : i32
        %gather3A_270 = tpu.memref_slice %arg19[%mul3A_269] : memref<32768xf32, #tpu.memory_space<vmem>> -> memref<512xf32, #tpu.memory_space<vmem>>
        %gather3A_271 = tpu.vector_load_idx %gather3A_270[%get3A_114] : memref<512xf32, #tpu.memory_space<vmem>>[vector<16xi32>], vector<16xf32>,
        %gather3A_272 = tpu.memref_slice %arg19[%mul3A_269] : memref<32768xf32, #tpu.memory_space<vmem>> -> memref<512xf32, #tpu.memory_space<vmem>>
        %gather3A_273 = tpu.vector_load_idx %gather3A_272[%get3A_116] : memref<512xf32, #tpu.memory_space<vmem>>[vector<16xi32>], vector<16xf32>,
        %mul3A_274 = arith.mulf %get3A_124, %get3A_263 : vector<16xf32>
        %mul3A_275 = arith.mulf %get3A_126, %get3A_267 : vector<16xf32>
        %add3A_276 = arith.addf %mul3A_274, %mul3A_275 : vector<16xf32>
        %exp3A_277 = math.exp %add3A_276 : vector<16xf32>
        %mul3A_278 = arith.mulf %get3A_122, %exp3A_277 : vector<16xf32>
        %mul3A_279 = arith.mulf %mul3A_278, %gather3A_271 : vector<16xf32>
        %mul3A_280 = arith.mulf %mul3A_279, %gather3A_273 : vector<16xf32>
        %mul3A_281 = arith.constant 8 : i32
        %mul3A_282 = arith.muli %scan3A_133, %mul3A_281 : i32
        %add3A_283 = arith.constant 6 : i32
        %add3A_284 = arith.addi %mul3A_282, %add3A_283 : i32
        %mul3A_285 = arith.constant 16 : i32
        %mul3A_286 = arith.muli %add3A_284, %mul3A_285 : i32
        %get3A_287 = arith.index_cast %mul3A_286 : i32 to index
        %get3A_288 = tpu.vector_load %arg21[%get3A_287] {strides = array<i32>} : memref<1024xf32, #tpu.memory_space<vmem>>, vector<16xf32>,
        %mul3A_289 = arith.constant 16 : i32
        %mul3A_290 = arith.muli %add3A_284, %mul3A_289 : i32
        %get3A_291 = arith.index_cast %mul3A_290 : i32 to index
        %get3A_292 = tpu.vector_load %arg22[%get3A_291] {strides = array<i32>} : memref<1024xf32, #tpu.memory_space<vmem>>, vector<16xf32>,
        %mul3A_293 = arith.constant 512 : i32
        %mul3A_294 = arith.muli %add3A_284, %mul3A_293 : i32
        %gather3A_295 = tpu.memref_slice %arg19[%mul3A_294] : memref<32768xf32, #tpu.memory_space<vmem>> -> memref<512xf32, #tpu.memory_space<vmem>>
        %gather3A_296 = tpu.vector_load_idx %gather3A_295[%get3A_114] : memref<512xf32, #tpu.memory_space<vmem>>[vector<16xi32>], vector<16xf32>,
        %gather3A_297 = tpu.memref_slice %arg19[%mul3A_294] : memref<32768xf32, #tpu.memory_space<vmem>> -> memref<512xf32, #tpu.memory_space<vmem>>
        %gather3A_298 = tpu.vector_load_idx %gather3A_297[%get3A_116] : memref<512xf32, #tpu.memory_space<vmem>>[vector<16xi32>], vector<16xf32>,
        %mul3A_299 = arith.mulf %get3A_124, %get3A_288 : vector<16xf32>
        %mul3A_300 = arith.mulf %get3A_126, %get3A_292 : vector<16xf32>
        %add3A_301 = arith.addf %mul3A_299, %mul3A_300 : vector<16xf32>
        %exp3A_302 = math.exp %add3A_301 : vector<16xf32>
        %mul3A_303 = arith.mulf %get3A_122, %exp3A_302 : vector<16xf32>
        %mul3A_304 = arith.mulf %mul3A_303, %gather3A_296 : vector<16xf32>
        %mul3A_305 = arith.mulf %mul3A_304, %gather3A_298 : vector<16xf32>
        %mul3A_306 = arith.constant 8 : i32
        %mul3A_307 = arith.muli %scan3A_133, %mul3A_306 : i32
        %add3A_308 = arith.constant 7 : i32
        %add3A_309 = arith.addi %mul3A_307, %add3A_308 : i32
        %mul3A_310 = arith.constant 16 : i32
        %mul3A_311 = arith.muli %add3A_309, %mul3A_310 : i32
        %get3A_312 = arith.index_cast %mul3A_311 : i32 to index
        %get3A_313 = tpu.vector_load %arg21[%get3A_312] {strides = array<i32>} : memref<1024xf32, #tpu.memory_space<vmem>>, vector<16xf32>,
        %mul3A_314 = arith.constant 16 : i32
        %mul3A_315 = arith.muli %add3A_309, %mul3A_314 : i32
        %get3A_316 = arith.index_cast %mul3A_315 : i32 to index
        %get3A_317 = tpu.vector_load %arg22[%get3A_316] {strides = array<i32>} : memref<1024xf32, #tpu.memory_space<vmem>>, vector<16xf32>,
        %mul3A_318 = arith.constant 512 : i32
        %mul3A_319 = arith.muli %add3A_309, %mul3A_318 : i32
        %gather3A_320 = tpu.memref_slice %arg19[%mul3A_319] : memref<32768xf32, #tpu.memory_space<vmem>> -> memref<512xf32, #tpu.memory_space<vmem>>
        %gather3A_321 = tpu.vector_load_idx %gather3A_320[%get3A_114] : memref<512xf32, #tpu.memory_space<vmem>>[vector<16xi32>], vector<16xf32>,
        %gather3A_322 = tpu.memref_slice %arg19[%mul3A_319] : memref<32768xf32, #tpu.memory_space<vmem>> -> memref<512xf32, #tpu.memory_space<vmem>>
        %gather3A_323 = tpu.vector_load_idx %gather3A_322[%get3A_116] : memref<512xf32, #tpu.memory_space<vmem>>[vector<16xi32>], vector<16xf32>,
        %mul3A_324 = arith.mulf %get3A_124, %get3A_313 : vector<16xf32>
        %mul3A_325 = arith.mulf %get3A_126, %get3A_317 : vector<16xf32>
        %add3A_326 = arith.addf %mul3A_324, %mul3A_325 : vector<16xf32>
        %exp3A_327 = math.exp %add3A_326 : vector<16xf32>
        %mul3A_328 = arith.mulf %get3A_122, %exp3A_327 : vector<16xf32>
        %mul3A_329 = arith.mulf %mul3A_328, %gather3A_321 : vector<16xf32>
        %mul3A_330 = arith.mulf %mul3A_329, %gather3A_323 : vector<16xf32>
        %mul3A_331 = arith.constant 512 : i32
        %mul3A_332 = arith.muli %add3A_136, %mul3A_331 : i32
        %neg3A = arith.constant 0.000000e+00 : f32
        %neg3A_333 = vector.broadcast %neg3A : f32 to vector<16xf32>
        %neg3A_334 = arith.subf %neg3A_333, %mul3A_155 : vector<16xf32>
        %scatter3A = tpu.memref_slice %arg20[%mul3A_332] : memref<32768xf32, #tpu.memory_space<vmem>> -> memref<512xf32, #tpu.memory_space<vmem>>
        tpu.vector_store_idx %scatter3A[%get3A_114], %neg3A_334 {add = true} : memref<512xf32, #tpu.memory_space<vmem>>[vector<16xi32>], vector<16xf32>,
        %scatter3A_335 = tpu.memref_slice %arg20[%mul3A_332] : memref<32768xf32, #tpu.memory_space<vmem>> -> memref<512xf32, #tpu.memory_space<vmem>>
        tpu.vector_store_idx %scatter3A_335[%get3A_116], %neg3A_334 {add = true} : memref<512xf32, #tpu.memory_space<vmem>>[vector<16xi32>], vector<16xf32>,
        %scatter3A_336 = tpu.memref_slice %arg20[%mul3A_332] : memref<32768xf32, #tpu.memory_space<vmem>> -> memref<512xf32, #tpu.memory_space<vmem>>
        tpu.vector_store_idx %scatter3A_336[%get3A_118], %mul3A_155 {add = true} : memref<512xf32, #tpu.memory_space<vmem>>[vector<16xi32>], vector<16xf32>,
        %scatter3A_337 = tpu.memref_slice %arg20[%mul3A_332] : memref<32768xf32, #tpu.memory_space<vmem>> -> memref<512xf32, #tpu.memory_space<vmem>>
        tpu.vector_store_idx %scatter3A_337[%get3A_120], %mul3A_155 {add = true} : memref<512xf32, #tpu.memory_space<vmem>>[vector<16xi32>], vector<16xf32>,
        %mul3A_338 = arith.constant 512 : i32
        %mul3A_339 = arith.muli %add3A_159, %mul3A_338 : i32
        %neg3A_340 = arith.constant 0.000000e+00 : f32
        %neg3A_341 = vector.broadcast %neg3A_340 : f32 to vector<16xf32>
        %neg3A_342 = arith.subf %neg3A_341, %mul3A_180 : vector<16xf32>
        %scatter3A_343 = tpu.memref_slice %arg20[%mul3A_339] : memref<32768xf32, #tpu.memory_space<vmem>> -> memref<512xf32, #tpu.memory_space<vmem>>
        tpu.vector_store_idx %scatter3A_343[%get3A_114], %neg3A_342 {add = true} : memref<512xf32, #tpu.memory_space<vmem>>[vector<16xi32>], vector<16xf32>,
        %scatter3A_344 = tpu.memref_slice %arg20[%mul3A_339] : memref<32768xf32, #tpu.memory_space<vmem>> -> memref<512xf32, #tpu.memory_space<vmem>>
        tpu.vector_store_idx %scatter3A_344[%get3A_116], %neg3A_342 {add = true} : memref<512xf32, #tpu.memory_space<vmem>>[vector<16xi32>], vector<16xf32>,
        %scatter3A_345 = tpu.memref_slice %arg20[%mul3A_339] : memref<32768xf32, #tpu.memory_space<vmem>> -> memref<512xf32, #tpu.memory_space<vmem>>
        tpu.vector_store_idx %scatter3A_345[%get3A_118], %mul3A_180 {add = true} : memref<512xf32, #tpu.memory_space<vmem>>[vector<16xi32>], vector<16xf32>,
        %scatter3A_346 = tpu.memref_slice %arg20[%mul3A_339] : memref<32768xf32, #tpu.memory_space<vmem>> -> memref<512xf32, #tpu.memory_space<vmem>>
        tpu.vector_store_idx %scatter3A_346[%get3A_120], %mul3A_180 {add = true} : memref<512xf32, #tpu.memory_space<vmem>>[vector<16xi32>], vector<16xf32>,
        %mul3A_347 = arith.constant 512 : i32
        %mul3A_348 = arith.muli %add3A_184, %mul3A_347 : i32
        %neg3A_349 = arith.constant 0.000000e+00 : f32
        %neg3A_350 = vector.broadcast %neg3A_349 : f32 to vector<16xf32>
        %neg3A_351 = arith.subf %neg3A_350, %mul3A_205 : vector<16xf32>
        %scatter3A_352 = tpu.memref_slice %arg20[%mul3A_348] : memref<32768xf32, #tpu.memory_space<vmem>> -> memref<512xf32, #tpu.memory_space<vmem>>
        tpu.vector_store_idx %scatter3A_352[%get3A_114], %neg3A_351 {add = true} : memref<512xf32, #tpu.memory_space<vmem>>[vector<16xi32>], vector<16xf32>,
        %scatter3A_353 = tpu.memref_slice %arg20[%mul3A_348] : memref<32768xf32, #tpu.memory_space<vmem>> -> memref<512xf32, #tpu.memory_space<vmem>>
        tpu.vector_store_idx %scatter3A_353[%get3A_116], %neg3A_351 {add = true} : memref<512xf32, #tpu.memory_space<vmem>>[vector<16xi32>], vector<16xf32>,
        %scatter3A_354 = tpu.memref_slice %arg20[%mul3A_348] : memref<32768xf32, #tpu.memory_space<vmem>> -> memref<512xf32, #tpu.memory_space<vmem>>
        tpu.vector_store_idx %scatter3A_354[%get3A_118], %mul3A_205 {add = true} : memref<512xf32, #tpu.memory_space<vmem>>[vector<16xi32>], vector<16xf32>,
        %scatter3A_355 = tpu.memref_slice %arg20[%mul3A_348] : memref<32768xf32, #tpu.memory_space<vmem>> -> memref<512xf32, #tpu.memory_space<vmem>>
        tpu.vector_store_idx %scatter3A_355[%get3A_120], %mul3A_205 {add = true} : memref<512xf32, #tpu.memory_space<vmem>>[vector<16xi32>], vector<16xf32>,
        %mul3A_356 = arith.constant 512 : i32
        %mul3A_357 = arith.muli %add3A_209, %mul3A_356 : i32
        %neg3A_358 = arith.constant 0.000000e+00 : f32
        %neg3A_359 = vector.broadcast %neg3A_358 : f32 to vector<16xf32>
        %neg3A_360 = arith.subf %neg3A_359, %mul3A_230 : vector<16xf32>
        %scatter3A_361 = tpu.memref_slice %arg20[%mul3A_357] : memref<32768xf32, #tpu.memory_space<vmem>> -> memref<512xf32, #tpu.memory_space<vmem>>
        tpu.vector_store_idx %scatter3A_361[%get3A_114], %neg3A_360 {add = true} : memref<512xf32, #tpu.memory_space<vmem>>[vector<16xi32>], vector<16xf32>,
        %scatter3A_362 = tpu.memref_slice %arg20[%mul3A_357] : memref<32768xf32, #tpu.memory_space<vmem>> -> memref<512xf32, #tpu.memory_space<vmem>>
        tpu.vector_store_idx %scatter3A_362[%get3A_116], %neg3A_360 {add = true} : memref<512xf32, #tpu.memory_space<vmem>>[vector<16xi32>], vector<16xf32>,
        %scatter3A_363 = tpu.memref_slice %arg20[%mul3A_357] : memref<32768xf32, #tpu.memory_space<vmem>> -> memref<512xf32, #tpu.memory_space<vmem>>
        tpu.vector_store_idx %scatter3A_363[%get3A_118], %mul3A_230 {add = true} : memref<512xf32, #tpu.memory_space<vmem>>[vector<16xi32>], vector<16xf32>,
        %scatter3A_364 = tpu.memref_slice %arg20[%mul3A_357] : memref<32768xf32, #tpu.memory_space<vmem>> -> memref<512xf32, #tpu.memory_space<vmem>>
        tpu.vector_store_idx %scatter3A_364[%get3A_120], %mul3A_230 {add = true} : memref<512xf32, #tpu.memory_space<vmem>>[vector<16xi32>], vector<16xf32>,
        %mul3A_365 = arith.constant 512 : i32
        %mul3A_366 = arith.muli %add3A_234, %mul3A_365 : i32
        %neg3A_367 = arith.constant 0.000000e+00 : f32
        %neg3A_368 = vector.broadcast %neg3A_367 : f32 to vector<16xf32>
        %neg3A_369 = arith.subf %neg3A_368, %mul3A_255 : vector<16xf32>
        %scatter3A_370 = tpu.memref_slice %arg20[%mul3A_366] : memref<32768xf32, #tpu.memory_space<vmem>> -> memref<512xf32, #tpu.memory_space<vmem>>
        tpu.vector_store_idx %scatter3A_370[%get3A_114], %neg3A_369 {add = true} : memref<512xf32, #tpu.memory_space<vmem>>[vector<16xi32>], vector<16xf32>,
        %scatter3A_371 = tpu.memref_slice %arg20[%mul3A_366] : memref<32768xf32, #tpu.memory_space<vmem>> -> memref<512xf32, #tpu.memory_space<vmem>>
        tpu.vector_store_idx %scatter3A_371[%get3A_116], %neg3A_369 {add = true} : memref<512xf32, #tpu.memory_space<vmem>>[vector<16xi32>], vector<16xf32>,
        %scatter3A_372 = tpu.memref_slice %arg20[%mul3A_366] : memref<32768xf32, #tpu.memory_space<vmem>> -> memref<512xf32, #tpu.memory_space<vmem>>
        tpu.vector_store_idx %scatter3A_372[%get3A_118], %mul3A_255 {add = true} : memref<512xf32, #tpu.memory_space<vmem>>[vector<16xi32>], vector<16xf32>,
        %scatter3A_373 = tpu.memref_slice %arg20[%mul3A_366] : memref<32768xf32, #tpu.memory_space<vmem>> -> memref<512xf32, #tpu.memory_space<vmem>>
        tpu.vector_store_idx %scatter3A_373[%get3A_120], %mul3A_255 {add = true} : memref<512xf32, #tpu.memory_space<vmem>>[vector<16xi32>], vector<16xf32>,
        %mul3A_374 = arith.constant 512 : i32
        %mul3A_375 = arith.muli %add3A_259, %mul3A_374 : i32
        %neg3A_376 = arith.constant 0.000000e+00 : f32
        %neg3A_377 = vector.broadcast %neg3A_376 : f32 to vector<16xf32>
        %neg3A_378 = arith.subf %neg3A_377, %mul3A_280 : vector<16xf32>
        %scatter3A_379 = tpu.memref_slice %arg20[%mul3A_375] : memref<32768xf32, #tpu.memory_space<vmem>> -> memref<512xf32, #tpu.memory_space<vmem>>
        tpu.vector_store_idx %scatter3A_379[%get3A_114], %neg3A_378 {add = true} : memref<512xf32, #tpu.memory_space<vmem>>[vector<16xi32>], vector<16xf32>,
        %scatter3A_380 = tpu.memref_slice %arg20[%mul3A_375] : memref<32768xf32, #tpu.memory_space<vmem>> -> memref<512xf32, #tpu.memory_space<vmem>>
        tpu.vector_store_idx %scatter3A_380[%get3A_116], %neg3A_378 {add = true} : memref<512xf32, #tpu.memory_space<vmem>>[vector<16xi32>], vector<16xf32>,
        %scatter3A_381 = tpu.memref_slice %arg20[%mul3A_375] : memref<32768xf32, #tpu.memory_space<vmem>> -> memref<512xf32, #tpu.memory_space<vmem>>
        tpu.vector_store_idx %scatter3A_381[%get3A_118], %mul3A_280 {add = true} : memref<512xf32, #tpu.memory_space<vmem>>[vector<16xi32>], vector<16xf32>,
        %scatter3A_382 = tpu.memref_slice %arg20[%mul3A_375] : memref<32768xf32, #tpu.memory_space<vmem>> -> memref<512xf32, #tpu.memory_space<vmem>>
        tpu.vector_store_idx %scatter3A_382[%get3A_120], %mul3A_280 {add = true} : memref<512xf32, #tpu.memory_space<vmem>>[vector<16xi32>], vector<16xf32>,
        %mul3A_383 = arith.constant 512 : i32
        %mul3A_384 = arith.muli %add3A_284, %mul3A_383 : i32
        %neg3A_385 = arith.constant 0.000000e+00 : f32
        %neg3A_386 = vector.broadcast %neg3A_385 : f32 to vector<16xf32>
        %neg3A_387 = arith.subf %neg3A_386, %mul3A_305 : vector<16xf32>
        %scatter3A_388 = tpu.memref_slice %arg20[%mul3A_384] : memref<32768xf32, #tpu.memory_space<vmem>> -> memref<512xf32, #tpu.memory_space<vmem>>
        tpu.vector_store_idx %scatter3A_388[%get3A_114], %neg3A_387 {add = true} : memref<512xf32, #tpu.memory_space<vmem>>[vector<16xi32>], vector<16xf32>,
        %scatter3A_389 = tpu.memref_slice %arg20[%mul3A_384] : memref<32768xf32, #tpu.memory_space<vmem>> -> memref<512xf32, #tpu.memory_space<vmem>>
        tpu.vector_store_idx %scatter3A_389[%get3A_116], %neg3A_387 {add = true} : memref<512xf32, #tpu.memory_space<vmem>>[vector<16xi32>], vector<16xf32>,
        %scatter3A_390 = tpu.memref_slice %arg20[%mul3A_384] : memref<32768xf32, #tpu.memory_space<vmem>> -> memref<512xf32, #tpu.memory_space<vmem>>
        tpu.vector_store_idx %scatter3A_390[%get3A_118], %mul3A_305 {add = true} : memref<512xf32, #tpu.memory_space<vmem>>[vector<16xi32>], vector<16xf32>,
        %scatter3A_391 = tpu.memref_slice %arg20[%mul3A_384] : memref<32768xf32, #tpu.memory_space<vmem>> -> memref<512xf32, #tpu.memory_space<vmem>>
        tpu.vector_store_idx %scatter3A_391[%get3A_120], %mul3A_305 {add = true} : memref<512xf32, #tpu.memory_space<vmem>>[vector<16xi32>], vector<16xf32>,
        %mul3A_392 = arith.constant 512 : i32
        %mul3A_393 = arith.muli %add3A_309, %mul3A_392 : i32
        %neg3A_394 = arith.constant 0.000000e+00 : f32
        %neg3A_395 = vector.broadcast %neg3A_394 : f32 to vector<16xf32>
        %neg3A_396 = arith.subf %neg3A_395, %mul3A_330 : vector<16xf32>
        %scatter3A_397 = tpu.memref_slice %arg20[%mul3A_393] : memref<32768xf32, #tpu.memory_space<vmem>> -> memref<512xf32, #tpu.memory_space<vmem>>
        tpu.vector_store_idx %scatter3A_397[%get3A_114], %neg3A_396 {add = true} : memref<512xf32, #tpu.memory_space<vmem>>[vector<16xi32>], vector<16xf32>,
        %scatter3A_398 = tpu.memref_slice %arg20[%mul3A_393] : memref<32768xf32, #tpu.memory_space<vmem>> -> memref<512xf32, #tpu.memory_space<vmem>>
        tpu.vector_store_idx %scatter3A_398[%get3A_116], %neg3A_396 {add = true} : memref<512xf32, #tpu.memory_space<vmem>>[vector<16xi32>], vector<16xf32>,
        %scatter3A_399 = tpu.memref_slice %arg20[%mul3A_393] : memref<32768xf32, #tpu.memory_space<vmem>> -> memref<512xf32, #tpu.memory_space<vmem>>
        tpu.vector_store_idx %scatter3A_399[%get3A_118], %mul3A_330 {add = true} : memref<512xf32, #tpu.memory_space<vmem>>[vector<16xi32>], vector<16xf32>,
        %scatter3A_400 = tpu.memref_slice %arg20[%mul3A_393] : memref<32768xf32, #tpu.memory_space<vmem>> -> memref<512xf32, #tpu.memory_space<vmem>>
        tpu.vector_store_idx %scatter3A_400[%get3A_120], %mul3A_330 {add = true} : memref<512xf32, #tpu.memory_space<vmem>>[vector<16xi32>], vector<16xf32>,
      }
      %scan3A_132 = arith.constant 8 : i32
    }
    %scan3A_104 = arith.constant 313 : i32
    %scan3A_105 = arith.constant 0 : i32
    %scan3A_106 = arith.constant 0 : i32
    %scan3A_107 = arith.constant 79 : i32
    %scan3A_108 = arith.addi %scan3A_106, %scan3A_107 : i32
    %scan3A_109 = arith.constant 1 : i32
    scf.for %scan3A_111 = %scan3A_106 to %scan3A_108 step %scan3A_109  : i32 {
      %mul3A_112 = arith.constant 16 : i32
      %mul3A_113 = arith.muli %scan3A_111, %mul3A_112 : i32
      %get3A = arith.index_cast %mul3A_113 : i32 to index
      %get3A_114 = tpu.vector_load %arg23[%get3A] {strides = array<i32>} : memref<1264xi32, #tpu.memory_space<vmem>>, vector<16xi32>,
      %get3A_115 = arith.index_cast %mul3A_113 : i32 to index
      %get3A_116 = tpu.vector_load %arg24[%get3A_115] {strides = array<i32>} : memref<1264xi32, #tpu.memory_space<vmem>>, vector<16xi32>,
      %get3A_117 = arith.index_cast %mul3A_113 : i32 to index
      %get3A_118 = tpu.vector_load %arg25[%get3A_117] {strides = array<i32>} : memref<1264xi32, #tpu.memory_space<vmem>>, vector<16xi32>,
      %get3A_119 = arith.index_cast %mul3A_113 : i32 to index
      %get3A_120 = tpu.vector_load %arg26[%get3A_119] {strides = array<i32>} : memref<1264xf32, #tpu.memory_space<vmem>>, vector<16xf32>,
      %get3A_121 = arith.index_cast %mul3A_113 : i32 to index
      %get3A_122 = tpu.vector_load %arg27[%get3A_121] {strides = array<i32>} : memref<1264xf32, #tpu.memory_space<vmem>>, vector<16xf32>,
      %get3A_123 = arith.index_cast %mul3A_113 : i32 to index
      %get3A_124 = tpu.vector_load %arg28[%get3A_123] {strides = array<i32>} : memref<1264xf32, #tpu.memory_space<vmem>>, vector<16xf32>,
      %scan3A_125 = arith.constant 0 : i32
      %scan3A_126 = arith.constant 0 : i32
      %scan3A_127 = arith.constant 8 : i32
      %scan3A_128 = arith.addi %scan3A_126, %scan3A_127 : i32
      %scan3A_129 = arith.constant 1 : i32
      scf.for %scan3A_131 = %scan3A_126 to %scan3A_128 step %scan3A_129  : i32 {
        %mul3A_132 = arith.constant 8 : i32
        %mul3A_133 = arith.muli %scan3A_131, %mul3A_132 : i32
        %add3A = arith.constant 0 : i32
        %add3A_134 = arith.addi %mul3A_133, %add3A : i32
        %mul3A_135 = arith.constant 16 : i32
        %mul3A_136 = arith.muli %add3A_134, %mul3A_135 : i32
        %get3A_137 = arith.index_cast %mul3A_136 : i32 to index
        %get3A_138 = tpu.vector_load %arg21[%get3A_137] {strides = array<i32>} : memref<1024xf32, #tpu.memory_space<vmem>>, vector<16xf32>,
        %mul3A_139 = arith.constant 16 : i32
        %mul3A_140 = arith.muli %add3A_134, %mul3A_139 : i32
        %get3A_141 = arith.index_cast %mul3A_140 : i32 to index
        %get3A_142 = tpu.vector_load %arg22[%get3A_141] {strides = array<i32>} : memref<1024xf32, #tpu.memory_space<vmem>>, vector<16xf32>,
        %mul3A_143 = arith.constant 512 : i32
        %mul3A_144 = arith.muli %add3A_134, %mul3A_143 : i32
        %gather3A = tpu.memref_slice %arg19[%mul3A_144] : memref<32768xf32, #tpu.memory_space<vmem>> -> memref<512xf32, #tpu.memory_space<vmem>>
        %gather3A_145 = tpu.vector_load_idx %gather3A[%get3A_114] : memref<512xf32, #tpu.memory_space<vmem>>[vector<16xi32>], vector<16xf32>,
        %mul3A_146 = arith.mulf %get3A_122, %get3A_138 : vector<16xf32>
        %mul3A_147 = arith.mulf %get3A_124, %get3A_142 : vector<16xf32>
        %add3A_148 = arith.addf %mul3A_146, %mul3A_147 : vector<16xf32>
        %exp3A = math.exp %add3A_148 : vector<16xf32>
        %mul3A_149 = arith.mulf %get3A_120, %exp3A : vector<16xf32>
        %mul3A_150 = arith.mulf %mul3A_149, %gather3A_145 : vector<16xf32>
        %mul3A_151 = arith.constant 8 : i32
        %mul3A_152 = arith.muli %scan3A_131, %mul3A_151 : i32
        %add3A_153 = arith.constant 1 : i32
        %add3A_154 = arith.addi %mul3A_152, %add3A_153 : i32
        %mul3A_155 = arith.constant 16 : i32
        %mul3A_156 = arith.muli %add3A_154, %mul3A_155 : i32
        %get3A_157 = arith.index_cast %mul3A_156 : i32 to index
        %get3A_158 = tpu.vector_load %arg21[%get3A_157] {strides = array<i32>} : memref<1024xf32, #tpu.memory_space<vmem>>, vector<16xf32>,
        %mul3A_159 = arith.constant 16 : i32
        %mul3A_160 = arith.muli %add3A_154, %mul3A_159 : i32
        %get3A_161 = arith.index_cast %mul3A_160 : i32 to index
        %get3A_162 = tpu.vector_load %arg22[%get3A_161] {strides = array<i32>} : memref<1024xf32, #tpu.memory_space<vmem>>, vector<16xf32>,
        %mul3A_163 = arith.constant 512 : i32
        %mul3A_164 = arith.muli %add3A_154, %mul3A_163 : i32
        %gather3A_165 = tpu.memref_slice %arg19[%mul3A_164] : memref<32768xf32, #tpu.memory_space<vmem>> -> memref<512xf32, #tpu.memory_space<vmem>>
        %gather3A_166 = tpu.vector_load_idx %gather3A_165[%get3A_114] : memref<512xf32, #tpu.memory_space<vmem>>[vector<16xi32>], vector<16xf32>,
        %mul3A_167 = arith.mulf %get3A_122, %get3A_158 : vector<16xf32>
        %mul3A_168 = arith.mulf %get3A_124, %get3A_162 : vector<16xf32>
        %add3A_169 = arith.addf %mul3A_167, %mul3A_168 : vector<16xf32>
        %exp3A_170 = math.exp %add3A_169 : vector<16xf32>
        %mul3A_171 = arith.mulf %get3A_120, %exp3A_170 : vector<16xf32>
        %mul3A_172 = arith.mulf %mul3A_171, %gather3A_166 : vector<16xf32>
        %mul3A_173 = arith.constant 8 : i32
        %mul3A_174 = arith.muli %scan3A_131, %mul3A_173 : i32
        %add3A_175 = arith.constant 2 : i32
        %add3A_176 = arith.addi %mul3A_174, %add3A_175 : i32
        %mul3A_177 = arith.constant 16 : i32
        %mul3A_178 = arith.muli %add3A_176, %mul3A_177 : i32
        %get3A_179 = arith.index_cast %mul3A_178 : i32 to index
        %get3A_180 = tpu.vector_load %arg21[%get3A_179] {strides = array<i32>} : memref<1024xf32, #tpu.memory_space<vmem>>, vector<16xf32>,
        %mul3A_181 = arith.constant 16 : i32
        %mul3A_182 = arith.muli %add3A_176, %mul3A_181 : i32
        %get3A_183 = arith.index_cast %mul3A_182 : i32 to index
        %get3A_184 = tpu.vector_load %arg22[%get3A_183] {strides = array<i32>} : memref<1024xf32, #tpu.memory_space<vmem>>, vector<16xf32>,
        %mul3A_185 = arith.constant 512 : i32
        %mul3A_186 = arith.muli %add3A_176, %mul3A_185 : i32
        %gather3A_187 = tpu.memref_slice %arg19[%mul3A_186] : memref<32768xf32, #tpu.memory_space<vmem>> -> memref<512xf32, #tpu.memory_space<vmem>>
        %gather3A_188 = tpu.vector_load_idx %gather3A_187[%get3A_114] : memref<512xf32, #tpu.memory_space<vmem>>[vector<16xi32>], vector<16xf32>,
        %mul3A_189 = arith.mulf %get3A_122, %get3A_180 : vector<16xf32>
        %mul3A_190 = arith.mulf %get3A_124, %get3A_184 : vector<16xf32>
        %add3A_191 = arith.addf %mul3A_189, %mul3A_190 : vector<16xf32>
        %exp3A_192 = math.exp %add3A_191 : vector<16xf32>
        %mul3A_193 = arith.mulf %get3A_120, %exp3A_192 : vector<16xf32>
        %mul3A_194 = arith.mulf %mul3A_193, %gather3A_188 : vector<16xf32>
        %mul3A_195 = arith.constant 8 : i32
        %mul3A_196 = arith.muli %scan3A_131, %mul3A_195 : i32
        %add3A_197 = arith.constant 3 : i32
        %add3A_198 = arith.addi %mul3A_196, %add3A_197 : i32
        %mul3A_199 = arith.constant 16 : i32
        %mul3A_200 = arith.muli %add3A_198, %mul3A_199 : i32
        %get3A_201 = arith.index_cast %mul3A_200 : i32 to index
        %get3A_202 = tpu.vector_load %arg21[%get3A_201] {strides = array<i32>} : memref<1024xf32, #tpu.memory_space<vmem>>, vector<16xf32>,
        %mul3A_203 = arith.constant 16 : i32
        %mul3A_204 = arith.muli %add3A_198, %mul3A_203 : i32
        %get3A_205 = arith.index_cast %mul3A_204 : i32 to index
        %get3A_206 = tpu.vector_load %arg22[%get3A_205] {strides = array<i32>} : memref<1024xf32, #tpu.memory_space<vmem>>, vector<16xf32>,
        %mul3A_207 = arith.constant 512 : i32
        %mul3A_208 = arith.muli %add3A_198, %mul3A_207 : i32
        %gather3A_209 = tpu.memref_slice %arg19[%mul3A_208] : memref<32768xf32, #tpu.memory_space<vmem>> -> memref<512xf32, #tpu.memory_space<vmem>>
        %gather3A_210 = tpu.vector_load_idx %gather3A_209[%get3A_114] : memref<512xf32, #tpu.memory_space<vmem>>[vector<16xi32>], vector<16xf32>,
        %mul3A_211 = arith.mulf %get3A_122, %get3A_202 : vector<16xf32>
        %mul3A_212 = arith.mulf %get3A_124, %get3A_206 : vector<16xf32>
        %add3A_213 = arith.addf %mul3A_211, %mul3A_212 : vector<16xf32>
        %exp3A_214 = math.exp %add3A_213 : vector<16xf32>
        %mul3A_215 = arith.mulf %get3A_120, %exp3A_214 : vector<16xf32>
        %mul3A_216 = arith.mulf %mul3A_215, %gather3A_210 : vector<16xf32>
        %mul3A_217 = arith.constant 8 : i32
        %mul3A_218 = arith.muli %scan3A_131, %mul3A_217 : i32
        %add3A_219 = arith.constant 4 : i32
        %add3A_220 = arith.addi %mul3A_218, %add3A_219 : i32
        %mul3A_221 = arith.constant 16 : i32
        %mul3A_222 = arith.muli %add3A_220, %mul3A_221 : i32
        %get3A_223 = arith.index_cast %mul3A_222 : i32 to index
        %get3A_224 = tpu.vector_load %arg21[%get3A_223] {strides = array<i32>} : memref<1024xf32, #tpu.memory_space<vmem>>, vector<16xf32>,
        %mul3A_225 = arith.constant 16 : i32
        %mul3A_226 = arith.muli %add3A_220, %mul3A_225 : i32
        %get3A_227 = arith.index_cast %mul3A_226 : i32 to index
        %get3A_228 = tpu.vector_load %arg22[%get3A_227] {strides = array<i32>} : memref<1024xf32, #tpu.memory_space<vmem>>, vector<16xf32>,
        %mul3A_229 = arith.constant 512 : i32
        %mul3A_230 = arith.muli %add3A_220, %mul3A_229 : i32
        %gather3A_231 = tpu.memref_slice %arg19[%mul3A_230] : memref<32768xf32, #tpu.memory_space<vmem>> -> memref<512xf32, #tpu.memory_space<vmem>>
        %gather3A_232 = tpu.vector_load_idx %gather3A_231[%get3A_114] : memref<512xf32, #tpu.memory_space<vmem>>[vector<16xi32>], vector<16xf32>,
        %mul3A_233 = arith.mulf %get3A_122, %get3A_224 : vector<16xf32>
        %mul3A_234 = arith.mulf %get3A_124, %get3A_228 : vector<16xf32>
        %add3A_235 = arith.addf %mul3A_233, %mul3A_234 : vector<16xf32>
        %exp3A_236 = math.exp %add3A_235 : vector<16xf32>
        %mul3A_237 = arith.mulf %get3A_120, %exp3A_236 : vector<16xf32>
        %mul3A_238 = arith.mulf %mul3A_237, %gather3A_232 : vector<16xf32>
        %mul3A_239 = arith.constant 8 : i32
        %mul3A_240 = arith.muli %scan3A_131, %mul3A_239 : i32
        %add3A_241 = arith.constant 5 : i32
        %add3A_242 = arith.addi %mul3A_240, %add3A_241 : i32
        %mul3A_243 = arith.constant 16 : i32
        %mul3A_244 = arith.muli %add3A_242, %mul3A_243 : i32
        %get3A_245 = arith.index_cast %mul3A_244 : i32 to index
        %get3A_246 = tpu.vector_load %arg21[%get3A_245] {strides = array<i32>} : memref<1024xf32, #tpu.memory_space<vmem>>, vector<16xf32>,
        %mul3A_247 = arith.constant 16 : i32
        %mul3A_248 = arith.muli %add3A_242, %mul3A_247 : i32
        %get3A_249 = arith.index_cast %mul3A_248 : i32 to index
        %get3A_250 = tpu.vector_load %arg22[%get3A_249] {strides = array<i32>} : memref<1024xf32, #tpu.memory_space<vmem>>, vector<16xf32>,
        %mul3A_251 = arith.constant 512 : i32
        %mul3A_252 = arith.muli %add3A_242, %mul3A_251 : i32
        %gather3A_253 = tpu.memref_slice %arg19[%mul3A_252] : memref<32768xf32, #tpu.memory_space<vmem>> -> memref<512xf32, #tpu.memory_space<vmem>>
        %gather3A_254 = tpu.vector_load_idx %gather3A_253[%get3A_114] : memref<512xf32, #tpu.memory_space<vmem>>[vector<16xi32>], vector<16xf32>,
        %mul3A_255 = arith.mulf %get3A_122, %get3A_246 : vector<16xf32>
        %mul3A_256 = arith.mulf %get3A_124, %get3A_250 : vector<16xf32>
        %add3A_257 = arith.addf %mul3A_255, %mul3A_256 : vector<16xf32>
        %exp3A_258 = math.exp %add3A_257 : vector<16xf32>
        %mul3A_259 = arith.mulf %get3A_120, %exp3A_258 : vector<16xf32>
        %mul3A_260 = arith.mulf %mul3A_259, %gather3A_254 : vector<16xf32>
        %mul3A_261 = arith.constant 8 : i32
        %mul3A_262 = arith.muli %scan3A_131, %mul3A_261 : i32
        %add3A_263 = arith.constant 6 : i32
        %add3A_264 = arith.addi %mul3A_262, %add3A_263 : i32
        %mul3A_265 = arith.constant 16 : i32
        %mul3A_266 = arith.muli %add3A_264, %mul3A_265 : i32
        %get3A_267 = arith.index_cast %mul3A_266 : i32 to index
        %get3A_268 = tpu.vector_load %arg21[%get3A_267] {strides = array<i32>} : memref<1024xf32, #tpu.memory_space<vmem>>, vector<16xf32>,
        %mul3A_269 = arith.constant 16 : i32
        %mul3A_270 = arith.muli %add3A_264, %mul3A_269 : i32
        %get3A_271 = arith.index_cast %mul3A_270 : i32 to index
        %get3A_272 = tpu.vector_load %arg22[%get3A_271] {strides = array<i32>} : memref<1024xf32, #tpu.memory_space<vmem>>, vector<16xf32>,
        %mul3A_273 = arith.constant 512 : i32
        %mul3A_274 = arith.muli %add3A_264, %mul3A_273 : i32
        %gather3A_275 = tpu.memref_slice %arg19[%mul3A_274] : memref<32768xf32, #tpu.memory_space<vmem>> -> memref<512xf32, #tpu.memory_space<vmem>>
        %gather3A_276 = tpu.vector_load_idx %gather3A_275[%get3A_114] : memref<512xf32, #tpu.memory_space<vmem>>[vector<16xi32>], vector<16xf32>,
        %mul3A_277 = arith.mulf %get3A_122, %get3A_268 : vector<16xf32>
        %mul3A_278 = arith.mulf %get3A_124, %get3A_272 : vector<16xf32>
        %add3A_279 = arith.addf %mul3A_277, %mul3A_278 : vector<16xf32>
        %exp3A_280 = math.exp %add3A_279 : vector<16xf32>
        %mul3A_281 = arith.mulf %get3A_120, %exp3A_280 : vector<16xf32>
        %mul3A_282 = arith.mulf %mul3A_281, %gather3A_276 : vector<16xf32>
        %mul3A_283 = arith.constant 8 : i32
        %mul3A_284 = arith.muli %scan3A_131, %mul3A_283 : i32
        %add3A_285 = arith.constant 7 : i32
        %add3A_286 = arith.addi %mul3A_284, %add3A_285 : i32
        %mul3A_287 = arith.constant 16 : i32
        %mul3A_288 = arith.muli %add3A_286, %mul3A_287 : i32
        %get3A_289 = arith.index_cast %mul3A_288 : i32 to index
        %get3A_290 = tpu.vector_load %arg21[%get3A_289] {strides = array<i32>} : memref<1024xf32, #tpu.memory_space<vmem>>, vector<16xf32>,
        %mul3A_291 = arith.constant 16 : i32
        %mul3A_292 = arith.muli %add3A_286, %mul3A_291 : i32
        %get3A_293 = arith.index_cast %mul3A_292 : i32 to index
        %get3A_294 = tpu.vector_load %arg22[%get3A_293] {strides = array<i32>} : memref<1024xf32, #tpu.memory_space<vmem>>, vector<16xf32>,
        %mul3A_295 = arith.constant 512 : i32
        %mul3A_296 = arith.muli %add3A_286, %mul3A_295 : i32
        %gather3A_297 = tpu.memref_slice %arg19[%mul3A_296] : memref<32768xf32, #tpu.memory_space<vmem>> -> memref<512xf32, #tpu.memory_space<vmem>>
        %gather3A_298 = tpu.vector_load_idx %gather3A_297[%get3A_114] : memref<512xf32, #tpu.memory_space<vmem>>[vector<16xi32>], vector<16xf32>,
        %mul3A_299 = arith.mulf %get3A_122, %get3A_290 : vector<16xf32>
        %mul3A_300 = arith.mulf %get3A_124, %get3A_294 : vector<16xf32>
        %add3A_301 = arith.addf %mul3A_299, %mul3A_300 : vector<16xf32>
        %exp3A_302 = math.exp %add3A_301 : vector<16xf32>
        %mul3A_303 = arith.mulf %get3A_120, %exp3A_302 : vector<16xf32>
        %mul3A_304 = arith.mulf %mul3A_303, %gather3A_298 : vector<16xf32>
        %mul3A_305 = arith.constant 512 : i32
        %mul3A_306 = arith.muli %add3A_134, %mul3A_305 : i32
        %neg3A = arith.constant 0.000000e+00 : f32
        %neg3A_307 = vector.broadcast %neg3A : f32 to vector<16xf32>
        %neg3A_308 = arith.subf %neg3A_307, %mul3A_150 : vector<16xf32>
        %scatter3A = tpu.memref_slice %arg20[%mul3A_306] : memref<32768xf32, #tpu.memory_space<vmem>> -> memref<512xf32, #tpu.memory_space<vmem>>
        tpu.vector_store_idx %scatter3A[%get3A_114], %neg3A_308 {add = true} : memref<512xf32, #tpu.memory_space<vmem>>[vector<16xi32>], vector<16xf32>,
        %scatter3A_309 = tpu.memref_slice %arg20[%mul3A_306] : memref<32768xf32, #tpu.memory_space<vmem>> -> memref<512xf32, #tpu.memory_space<vmem>>
        tpu.vector_store_idx %scatter3A_309[%get3A_116], %mul3A_150 {add = true} : memref<512xf32, #tpu.memory_space<vmem>>[vector<16xi32>], vector<16xf32>,
        %scatter3A_310 = tpu.memref_slice %arg20[%mul3A_306] : memref<32768xf32, #tpu.memory_space<vmem>> -> memref<512xf32, #tpu.memory_space<vmem>>
        tpu.vector_store_idx %scatter3A_310[%get3A_118], %mul3A_150 {add = true} : memref<512xf32, #tpu.memory_space<vmem>>[vector<16xi32>], vector<16xf32>,
        %mul3A_311 = arith.constant 512 : i32
        %mul3A_312 = arith.muli %add3A_154, %mul3A_311 : i32
        %neg3A_313 = arith.constant 0.000000e+00 : f32
        %neg3A_314 = vector.broadcast %neg3A_313 : f32 to vector<16xf32>
        %neg3A_315 = arith.subf %neg3A_314, %mul3A_172 : vector<16xf32>
        %scatter3A_316 = tpu.memref_slice %arg20[%mul3A_312] : memref<32768xf32, #tpu.memory_space<vmem>> -> memref<512xf32, #tpu.memory_space<vmem>>
        tpu.vector_store_idx %scatter3A_316[%get3A_114], %neg3A_315 {add = true} : memref<512xf32, #tpu.memory_space<vmem>>[vector<16xi32>], vector<16xf32>,
        %scatter3A_317 = tpu.memref_slice %arg20[%mul3A_312] : memref<32768xf32, #tpu.memory_space<vmem>> -> memref<512xf32, #tpu.memory_space<vmem>>
        tpu.vector_store_idx %scatter3A_317[%get3A_116], %mul3A_172 {add = true} : memref<512xf32, #tpu.memory_space<vmem>>[vector<16xi32>], vector<16xf32>,
        %scatter3A_318 = tpu.memref_slice %arg20[%mul3A_312] : memref<32768xf32, #tpu.memory_space<vmem>> -> memref<512xf32, #tpu.memory_space<vmem>>
        tpu.vector_store_idx %scatter3A_318[%get3A_118], %mul3A_172 {add = true} : memref<512xf32, #tpu.memory_space<vmem>>[vector<16xi32>], vector<16xf32>,
        %mul3A_319 = arith.constant 512 : i32
        %mul3A_320 = arith.muli %add3A_176, %mul3A_319 : i32
        %neg3A_321 = arith.constant 0.000000e+00 : f32
        %neg3A_322 = vector.broadcast %neg3A_321 : f32 to vector<16xf32>
        %neg3A_323 = arith.subf %neg3A_322, %mul3A_194 : vector<16xf32>
        %scatter3A_324 = tpu.memref_slice %arg20[%mul3A_320] : memref<32768xf32, #tpu.memory_space<vmem>> -> memref<512xf32, #tpu.memory_space<vmem>>
        tpu.vector_store_idx %scatter3A_324[%get3A_114], %neg3A_323 {add = true} : memref<512xf32, #tpu.memory_space<vmem>>[vector<16xi32>], vector<16xf32>,
        %scatter3A_325 = tpu.memref_slice %arg20[%mul3A_320] : memref<32768xf32, #tpu.memory_space<vmem>> -> memref<512xf32, #tpu.memory_space<vmem>>
        tpu.vector_store_idx %scatter3A_325[%get3A_116], %mul3A_194 {add = true} : memref<512xf32, #tpu.memory_space<vmem>>[vector<16xi32>], vector<16xf32>,
        %scatter3A_326 = tpu.memref_slice %arg20[%mul3A_320] : memref<32768xf32, #tpu.memory_space<vmem>> -> memref<512xf32, #tpu.memory_space<vmem>>
        tpu.vector_store_idx %scatter3A_326[%get3A_118], %mul3A_194 {add = true} : memref<512xf32, #tpu.memory_space<vmem>>[vector<16xi32>], vector<16xf32>,
        %mul3A_327 = arith.constant 512 : i32
        %mul3A_328 = arith.muli %add3A_198, %mul3A_327 : i32
        %neg3A_329 = arith.constant 0.000000e+00 : f32
        %neg3A_330 = vector.broadcast %neg3A_329 : f32 to vector<16xf32>
        %neg3A_331 = arith.subf %neg3A_330, %mul3A_216 : vector<16xf32>
        %scatter3A_332 = tpu.memref_slice %arg20[%mul3A_328] : memref<32768xf32, #tpu.memory_space<vmem>> -> memref<512xf32, #tpu.memory_space<vmem>>
        tpu.vector_store_idx %scatter3A_332[%get3A_114], %neg3A_331 {add = true} : memref<512xf32, #tpu.memory_space<vmem>>[vector<16xi32>], vector<16xf32>,
        %scatter3A_333 = tpu.memref_slice %arg20[%mul3A_328] : memref<32768xf32, #tpu.memory_space<vmem>> -> memref<512xf32, #tpu.memory_space<vmem>>
        tpu.vector_store_idx %scatter3A_333[%get3A_116], %mul3A_216 {add = true} : memref<512xf32, #tpu.memory_space<vmem>>[vector<16xi32>], vector<16xf32>,
        %scatter3A_334 = tpu.memref_slice %arg20[%mul3A_328] : memref<32768xf32, #tpu.memory_space<vmem>> -> memref<512xf32, #tpu.memory_space<vmem>>
        tpu.vector_store_idx %scatter3A_334[%get3A_118], %mul3A_216 {add = true} : memref<512xf32, #tpu.memory_space<vmem>>[vector<16xi32>], vector<16xf32>,
        %mul3A_335 = arith.constant 512 : i32
        %mul3A_336 = arith.muli %add3A_220, %mul3A_335 : i32
        %neg3A_337 = arith.constant 0.000000e+00 : f32
        %neg3A_338 = vector.broadcast %neg3A_337 : f32 to vector<16xf32>
        %neg3A_339 = arith.subf %neg3A_338, %mul3A_238 : vector<16xf32>
        %scatter3A_340 = tpu.memref_slice %arg20[%mul3A_336] : memref<32768xf32, #tpu.memory_space<vmem>> -> memref<512xf32, #tpu.memory_space<vmem>>
        tpu.vector_store_idx %scatter3A_340[%get3A_114], %neg3A_339 {add = true} : memref<512xf32, #tpu.memory_space<vmem>>[vector<16xi32>], vector<16xf32>,
        %scatter3A_341 = tpu.memref_slice %arg20[%mul3A_336] : memref<32768xf32, #tpu.memory_space<vmem>> -> memref<512xf32, #tpu.memory_space<vmem>>
        tpu.vector_store_idx %scatter3A_341[%get3A_116], %mul3A_238 {add = true} : memref<512xf32, #tpu.memory_space<vmem>>[vector<16xi32>], vector<16xf32>,
        %scatter3A_342 = tpu.memref_slice %arg20[%mul3A_336] : memref<32768xf32, #tpu.memory_space<vmem>> -> memref<512xf32, #tpu.memory_space<vmem>>
        tpu.vector_store_idx %scatter3A_342[%get3A_118], %mul3A_238 {add = true} : memref<512xf32, #tpu.memory_space<vmem>>[vector<16xi32>], vector<16xf32>,
        %mul3A_343 = arith.constant 512 : i32
        %mul3A_344 = arith.muli %add3A_242, %mul3A_343 : i32
        %neg3A_345 = arith.constant 0.000000e+00 : f32
        %neg3A_346 = vector.broadcast %neg3A_345 : f32 to vector<16xf32>
        %neg3A_347 = arith.subf %neg3A_346, %mul3A_260 : vector<16xf32>
        %scatter3A_348 = tpu.memref_slice %arg20[%mul3A_344] : memref<32768xf32, #tpu.memory_space<vmem>> -> memref<512xf32, #tpu.memory_space<vmem>>
        tpu.vector_store_idx %scatter3A_348[%get3A_114], %neg3A_347 {add = true} : memref<512xf32, #tpu.memory_space<vmem>>[vector<16xi32>], vector<16xf32>,
        %scatter3A_349 = tpu.memref_slice %arg20[%mul3A_344] : memref<32768xf32, #tpu.memory_space<vmem>> -> memref<512xf32, #tpu.memory_space<vmem>>
        tpu.vector_store_idx %scatter3A_349[%get3A_116], %mul3A_260 {add = true} : memref<512xf32, #tpu.memory_space<vmem>>[vector<16xi32>], vector<16xf32>,
        %scatter3A_350 = tpu.memref_slice %arg20[%mul3A_344] : memref<32768xf32, #tpu.memory_space<vmem>> -> memref<512xf32, #tpu.memory_space<vmem>>
        tpu.vector_store_idx %scatter3A_350[%get3A_118], %mul3A_260 {add = true} : memref<512xf32, #tpu.memory_space<vmem>>[vector<16xi32>], vector<16xf32>,
        %mul3A_351 = arith.constant 512 : i32
        %mul3A_352 = arith.muli %add3A_264, %mul3A_351 : i32
        %neg3A_353 = arith.constant 0.000000e+00 : f32
        %neg3A_354 = vector.broadcast %neg3A_353 : f32 to vector<16xf32>
        %neg3A_355 = arith.subf %neg3A_354, %mul3A_282 : vector<16xf32>
        %scatter3A_356 = tpu.memref_slice %arg20[%mul3A_352] : memref<32768xf32, #tpu.memory_space<vmem>> -> memref<512xf32, #tpu.memory_space<vmem>>
        tpu.vector_store_idx %scatter3A_356[%get3A_114], %neg3A_355 {add = true} : memref<512xf32, #tpu.memory_space<vmem>>[vector<16xi32>], vector<16xf32>,
        %scatter3A_357 = tpu.memref_slice %arg20[%mul3A_352] : memref<32768xf32, #tpu.memory_space<vmem>> -> memref<512xf32, #tpu.memory_space<vmem>>
        tpu.vector_store_idx %scatter3A_357[%get3A_116], %mul3A_282 {add = true} : memref<512xf32, #tpu.memory_space<vmem>>[vector<16xi32>], vector<16xf32>,
        %scatter3A_358 = tpu.memref_slice %arg20[%mul3A_352] : memref<32768xf32, #tpu.memory_space<vmem>> -> memref<512xf32, #tpu.memory_space<vmem>>
        tpu.vector_store_idx %scatter3A_358[%get3A_118], %mul3A_282 {add = true} : memref<512xf32, #tpu.memory_space<vmem>>[vector<16xi32>], vector<16xf32>,
        %mul3A_359 = arith.constant 512 : i32
        %mul3A_360 = arith.muli %add3A_286, %mul3A_359 : i32
        %neg3A_361 = arith.constant 0.000000e+00 : f32
        %neg3A_362 = vector.broadcast %neg3A_361 : f32 to vector<16xf32>
        %neg3A_363 = arith.subf %neg3A_362, %mul3A_304 : vector<16xf32>
        %scatter3A_364 = tpu.memref_slice %arg20[%mul3A_360] : memref<32768xf32, #tpu.memory_space<vmem>> -> memref<512xf32, #tpu.memory_space<vmem>>
        tpu.vector_store_idx %scatter3A_364[%get3A_114], %neg3A_363 {add = true} : memref<512xf32, #tpu.memory_space<vmem>>[vector<16xi32>], vector<16xf32>,
        %scatter3A_365 = tpu.memref_slice %arg20[%mul3A_360] : memref<32768xf32, #tpu.memory_space<vmem>> -> memref<512xf32, #tpu.memory_space<vmem>>
        tpu.vector_store_idx %scatter3A_365[%get3A_116], %mul3A_304 {add = true} : memref<512xf32, #tpu.memory_space<vmem>>[vector<16xi32>], vector<16xf32>,
        %scatter3A_366 = tpu.memref_slice %arg20[%mul3A_360] : memref<32768xf32, #tpu.memory_space<vmem>> -> memref<512xf32, #tpu.memory_space<vmem>>
        tpu.vector_store_idx %scatter3A_366[%get3A_118], %mul3A_304 {add = true} : memref<512xf32, #tpu.memory_space<vmem>>[vector<16xi32>], vector<16xf32>,
      }
      %scan3A_130 = arith.constant 8 : i32
    }
    %scan3A_110 = arith.constant 79 : i32
    "tpu.region"() ({
      %run_scoped3A = tpu.sem_alloc : memref<!tpu.dma_semaphore, #tpu.memory_space<semaphore_mem>>
      %dma_start3A_111 = arith.constant 0 : i32
      %dma_start3A_112 = tpu.memref_slice %arg18[%arg1, %arg0, %dma_start3A_111] : memref<16x2x32768xf32, #tpu.memory_space<hbm>> -> memref<1x1x32768xf32, #tpu.memory_space<hbm>>
      %dma_start3A_113 = tpu.memref_squeeze %dma_start3A_112 : memref<1x1x32768xf32, #tpu.memory_space<hbm>> -> memref<32768xf32, #tpu.memory_space<hbm>>
      %dma_start3A_114 = arith.constant 0 : i32
      %dma_start3A_115 = tpu.memref_slice %arg18[%arg1, %arg0, %dma_start3A_114] : memref<16x2x32768xf32, #tpu.memory_space<hbm>> -> memref<1x1x32768xf32, #tpu.memory_space<hbm>>
      %dma_start3A_116 = tpu.memref_squeeze %dma_start3A_115 : memref<1x1x32768xf32, #tpu.memory_space<hbm>> -> memref<32768xf32, #tpu.memory_space<hbm>>
      tpu.enqueue_dma source(%arg20 : memref<32768xf32, #tpu.memory_space<vmem>>) target(%dma_start3A_116 : memref<32768xf32, #tpu.memory_space<hbm>>) target_semaphore(%run_scoped3A : memref<!tpu.dma_semaphore, #tpu.memory_space<semaphore_mem>>)
      %dma_wait3A_117 = arith.constant 0 : i32
      %dma_wait3A_118 = tpu.memref_slice %arg18[%arg1, %arg0, %dma_wait3A_117] : memref<16x2x32768xf32, #tpu.memory_space<hbm>> -> memref<1x1x32768xf32, #tpu.memory_space<hbm>>
      %dma_wait3A_119 = tpu.memref_squeeze %dma_wait3A_118 : memref<1x1x32768xf32, #tpu.memory_space<hbm>> -> memref<32768xf32, #tpu.memory_space<hbm>>
      %dma_wait3A_120 = arith.constant 0 : i32
      %dma_wait3A_121 = tpu.memref_slice %arg18[%arg1, %arg0, %dma_wait3A_120] : memref<16x2x32768xf32, #tpu.memory_space<hbm>> -> memref<1x1x32768xf32, #tpu.memory_space<hbm>>
      %dma_wait3A_122 = tpu.memref_squeeze %dma_wait3A_121 : memref<1x1x32768xf32, #tpu.memory_space<hbm>> -> memref<32768xf32, #tpu.memory_space<hbm>>
      tpu.wait_dma2 semaphore(%run_scoped3A : memref<!tpu.dma_semaphore, #tpu.memory_space<semaphore_mem>>) src(%arg20 : memref<32768xf32, #tpu.memory_space<vmem>>) dst(%dma_wait3A_122 : memref<32768xf32, #tpu.memory_space<hbm>>)
      tpu.yield
    }) : () -> ()
    return
  }
}

</mosaic_0001>

<sc_bundles>
// kernel: kernel.3.cloned.1.call-start
scs
__scs_entry_jumppad:
0x0: {  	(pc) =	sbr.rel $0x88, $3  }
0x1: {  	(tag) =	ssettag $0x0;
	lr =	simm.s32 $0x1  }
0x2: {  	[smem:$0x3F90] =	sst lr;
	_ =	strace $0xD0000000  }
0x3: {  	_ = 	snop  }
0x4: {  	_ = 	snop  }
0x5: {  	_ = 	snop  }
0x6: {  	_ = 	snop  }
0x7: {  	_ = 	snop  }
__scs_overlays_trampoline_lowered:
0x8: {  	[smem:$0x3F9F] =	sst s0  }
0x9: {  	[smem:$0x3FA0] =	sst s1  }
0xa: {  	[smem:$0x3FA1] =	sst s2  }
0xb: {  	[smem:$0x3FA2] =	sst s3  }
0xc: {  	[smem:$0x3FA3] =	sst s4  }
0xd: {  	[smem:$0x3FA4] =	sst s5  }
0xe: {  	[smem:$0x3FA5] =	sst s6  }
0xf: {  	[smem:$0x3FA6] =	sst s7  }
0x10: {  	[smem:$0x3FA7] =	sst s8  }
0x11: {  	[smem:$0x3FA8] =	sst s9;
	s0 =	simm.s32 @!p0 $0x0  }
0x12: {  	s1 =	sld [smem:$0x3F8E];
	s0 =	simm.s32 @p0 $0x1  }
0x13: {  	[smem:$0x3FA9] =	sst s0;
	s0 =	simm.s32 @!p1 $0x0  }
0x14: {  	s2 =	sld [smem:$0x3F8D];
	s0 =	simm.s32 @p1 $0x1  }
0x15: {  	[smem:$0x3FAA] =	sst s0;
	s0 =	simm.s32 @!p2 $0x0  }
0x16: {  	s3 =	sld [smem:$0x3FDB];
	s0 =	simm.s32 @p2 $0x1  }
0x17: {  	s4 =	simm.s32 $0x1BF5;
	[smem:$0x3FAC] =	sst s0  }
0x18: {  	s0 =	sld [smem:$0x3F8F];
	_ =	swait.ge [sflag:s4], $0x0  }
0x19: {  	s7 =	sld [smem:$0x3F90]  }
0x1a: {  	s8 =	sadd.s32 $0xFFFFE003, lr  }
0x1b: {  	s9 =	sadd.s32 $0xFFFFFEF7, lr;
	s5 =	simm.s32 $0xFFFFFFFF;
	p2 =	slt.u32 s8, $0xFFFFF086  }
0x1c: {  	p1 =	slt.u32 s9, $0xF7A;
	s5 =	simm.s32 @!p2 $0x0  }
0x1d: {  	s5 =	simm.s32 @p1 $0x1;
	p0 =	seq.s32 s7, s2  }
0x1e: {  	s7 =	smul.u32 @!p0 $0xF7A, s2;
	p2 =	seq.s32 @!p0 s5, $0x0  }
0x1f: {  	s9 =	smul.u32 $0xF7A, s1;
	s8 =	simm.s32 @!p0 $0x1BF5;
	p2 =	por !p2, p0  }
0x20: {  	[sflag:s8] =	ssyncset.s32 @!p0 $0xFFFFF086;
	s6 =	sadd.s32 @!p0 s3, s7;
	s7 =	simm.s32 @!p0 $0x108  }
0x21: {  	s3 =	sadd.s32 s3, s9;
	s6 =	sadd.s32 @!p0 $0x88, s6;
	s7 =	simm.s32 @p2 $0x1082  }
0x22: {  	[simem:s7], [sflag:s8] =	dma.local @!p0 [hbm:s6], $0xF7A  }
0x23: {  	s9 =	sor.u32 $0xD0000000, s2;
	s6 =	simm.s32 $0x108;
	_ =	swait.ge @!p0 [sflag:s8], $0x0  }
0x24: {  	s3 =	sadd.s32 $0x88, s3;
	s6 =	simm.s32 @!p1 $0x1082;
	[sflag:s4] =	ssyncset.s32 $0xFFFFF086  }
0x25: {  	[simem:s6], [sflag:s4] =	dma.local [hbm:s3], $0xF7A  }
0x26: {  	[smem:$0x3F90] =	sst s1;
	(tag) =	ssettag s2;
	_ =	strace s9  }
0x27: {  	s1 =	sld [smem:$0x3FA0]  }
0x28: {  	s2 =	sld [smem:$0x3FA1]  }
0x29: {  	s4 =	sld [smem:$0x3FA3]  }
0x2a: {  	p0 =	seq.s32 s5, $0x0;
	s5 =	sld [smem:$0x3FA4]  }
0x2b: {  	s6 =	sld [smem:$0x3FA5]  }
0x2c: {  	s7 =	sld [smem:$0x3FA6]  }
0x2d: {  	s3 =	simm.s32 $0x108;
	s8 =	sld [smem:$0x3FA7]  }
0x2e: {  	s3 =	simm.s32 @!p0 $0x1082;
	s9 =	sld [smem:$0x3FA8]  }
0x2f: {  	lr =	sadd.s32 s0, s3;
	s0 =	sld [smem:$0x3F9F]  }
0x30: {  	s3 =	sld [smem:$0x3FA2]  }
0x31: {  	[smem:$0x3FAB] =	sst s10  }
0x32: {  	s10 =	sld [smem:$0x3FA9];
	_ =	sdelay $0x3  }
0x33: {  	p0 =	seq.s32 s10, $0x1;
	s10 =	sld [smem:$0x3FAB];
	_ =	sdelay $0x3  }
0x34: {  	[smem:$0x3FAB] =	sst s10  }
0x35: {  	s10 =	sld [smem:$0x3FAA];
	_ =	sdelay $0x3  }
0x36: {  	p1 =	seq.s32 s10, $0x1;
	s10 =	sld [smem:$0x3FAB];
	_ =	sdelay $0x3  }
0x37: {  	[smem:$0x3FAB] =	sst s10  }
0x38: {  	s10 =	sld [smem:$0x3FAC]  }
0x39: {  	_ = 	snop;
	(pc) =	sbr.ind lr, $3  }
0x3a: {  	_ = 	snop  }
0x3b: {  	_ = 	snop  }
0x3c: {  	p2 =	seq.s32 s10, $0x1;
	s10 =	sld [smem:$0x3FAB]  }
0x3d: {  	_ =	shalt  }
0x3e: {  	_ =	shalt  }
0x3f: {  	_ =	shalt  }
0x40: {  	_ =	shalt  }
0x41: {  	_ =	shalt  }
0x42: {  	_ =	shalt  }
0x43: {  	_ =	shalt  }
0x44: {  	_ =	shalt  }
0x45: {  	_ =	shalt  }
0x46: {  	_ =	shalt  }
0x47: {  	_ =	shalt  }
0x48: {  	_ =	shalt  }
0x49: {  	_ =	shalt  }
0x4a: {  	_ =	shalt  }
0x4b: {  	_ =	shalt  }
0x4c: {  	_ =	shalt  }
0x4d: {  	_ =	shalt  }
0x4e: {  	_ =	shalt  }
0x4f: {  	_ =	shalt  }
0x50: {  	_ =	shalt  }
0x51: {  	_ =	shalt  }
0x52: {  	_ =	shalt  }
0x53: {  	_ =	shalt  }
0x54: {  	_ =	shalt  }
0x55: {  	_ =	shalt  }
0x56: {  	_ =	shalt  }
0x57: {  	_ =	shalt  }
0x58: {  	_ =	shalt  }
0x59: {  	_ =	shalt  }
0x5a: {  	_ =	shalt  }
0x5b: {  	_ =	shalt  }
0x5c: {  	_ =	shalt  }
0x5d: {  	_ =	shalt  }
0x5e: {  	_ =	shalt  }
0x5f: {  	_ =	shalt  }
0x60: {  	_ =	shalt  }
0x61: {  	_ =	shalt  }
0x62: {  	_ =	shalt  }
0x63: {  	_ =	shalt  }
0x64: {  	_ =	shalt  }
0x65: {  	_ =	shalt  }
0x66: {  	_ =	shalt  }
0x67: {  	_ =	shalt  }
0x68: {  	_ =	shalt  }
0x69: {  	_ =	shalt  }
0x6a: {  	_ =	shalt  }
0x6b: {  	_ =	shalt  }
0x6c: {  	_ =	shalt  }
0x6d: {  	_ =	shalt  }
0x6e: {  	_ =	shalt  }
0x6f: {  	_ =	shalt  }
0x70: {  	_ =	shalt  }
0x71: {  	_ =	shalt  }
0x72: {  	_ =	shalt  }
0x73: {  	_ =	shalt  }
0x74: {  	_ =	shalt  }
0x75: {  	_ =	shalt  }
0x76: {  	_ =	shalt  }
0x77: {  	_ =	shalt  }
0x78: {  	_ =	shalt  }
0x79: {  	_ =	shalt  }
0x7a: {  	_ =	shalt  }
0x7b: {  	_ =	shalt  }
0x7c: {  	_ =	shalt  }
0x7d: {  	_ =	shalt  }
0x7e: {  	_ =	shalt  }
0x7f: {  	_ =	shalt  }
0x80: {  	_ =	shalt  }
0x81: {  	_ =	shalt  }
0x82: {  	_ =	shalt  }
0x83: {  	_ =	shalt  }
0x84: {  	_ =	shalt  }
0x85: {  	_ =	shalt  }
0x86: {  	_ =	shalt  }
0x87: {  	_ =	shalt  }
.Lfunc_end0:
.L_simem_size_0:
called_computation_lowered:
.L_overlay_start_0:
0x88: {  	s2 =	sld [smem:$0x3FD9]  }
0x89: {  	s3 =	sld [smem:$0x3FFE];
	_ =	sdelay $0x1  }
0x8a: {  	s1 =	srdreg.scid  }
0x8b: {  	s0 =	sand.u32 $0x1, s1  }
0x8c: {  	s17 =	sshll.u32 s0, $0xA;
	s2 =	sadd.s32 s3, s2  }
0x8d: {  	s2 =	sadd.s32 s2, s17  }
0x8e: {  	[smem:$0x3FB7] =	sst s2  }
0x8f: {  	_ = 	snop  }
0x90: {  	s2 =	sld [smem:$0x3FD0];
	(tm) =	ssettm $0x1  }
0x91: {  	s18 =	sld [smem:$0x3FFB];
	_ =	sdelay $0x3  }
0x92: {  	_ =	strace s18  }
0x93: {  	s3 =	sld [smem:$0x3FFC];
	_ =	sdelay $0x3  }
0x94: {  	_ =	strace s3  }
0x95: {  	s3 =	sld [smem:$0x3FFD];
	_ =	sdelay $0x3  }
0x96: {  	_ =	strace s3  }
0x97: {  	_ =	strace $0x8FFFFFFF  }
0x98: {  	s19 =	sld [smem:$0x3FDB];
	_ =	sdelay $0x1  }
0x99: {  	s4 =	simm.s32 $_scs_section_size  }
0x9a: {  	s5 =	simm.s32 $_size__tile_overlayer_lowered;
	s6 =	simm.s32 $_tile_overlayer_lowered  }
0x9b: {  	s22 =	simm.s32 $0x1BFF;
	s21 =	sshll.u32 s6, $0x1;
	s3 =	sadd.s32 s4, s19  }
0x9c: {  	s7 =	simm.s32 $0x0;
	s20 =	sshll.u32 s5, $0x1;
	s5 =	sadd.s32 s21, s3  }
0x9d: {  	[timem:s7], [sflag:s22] =	dma.local [hbm:s5], s20  }
0x9e: {  	_ =	swait.ge [sflag:s22], s20  }
0x9f: {  	s4 =	ssub.s32 $0x0, s20;
	[sflag:s22] =	ssyncset.done $0x0  }
0xa0: {  	[sflag:s22] =	ssyncadd.s32 s4;
	_ =	sdelay $0x1  }
0xa1: {  	s23 =	simm.s32 $0x1B8B  }
0xa2: {  	_ =	swait.ge [sflag:s23], $0x1  }
0xa3: {  	[sflag:s23] =	ssyncset.done $0x0  }
0xa4: {  	s25 =	simm.s32 $0x1B8E;
	s24 =	sld [smem:$0x3FFE];
	[sflag:s23] =	ssyncadd.s32 $0xFFFFFFFF  }
0xa5: {  	s26 =	simm.s32 $execute0_lowered;
	[smem:$0x3FD2] =	sst s25  }
0xa6: {  	s5 =	sshll.u32 s26, $0x1;
	_ =	strace $0x80000046;
	[dreg:$0x1] =	wrdreg $0xFFFFFFFF  }
0xa7: {  	s28 =	simm.s32 $_size_execute0_lowered;
	s3 =	sadd.s32 s3, s5;
	[dreg:$0x0] =	wrdreg $0x0  }
0xa8: {  	s5 =	sshll.u32 s28, $0x1;
	[dreg:$0x2] =	wrdreg s3  }
0xa9: {  	[dreg:$0x3] =	wrdreg s5  }
0xaa: {  	[dreg:$0x4] =	wrdreg $0xC0  }
0xab: {  	_ =	task [dreg:s7], $0x5FFFF  }
0xac: {  	[dreg:$0x1] =	wrdreg $0xFFFFFFFF  }
0xad: {  	[dreg:$0x0] =	wrdreg $0x60  }
0xae: {  	[dreg:$0x2] =	wrdreg s2  }
0xaf: {  	[dreg:$0x3] =	wrdreg s24  }
0xb0: {  	[dreg:$0x4] =	wrdreg $0x9  }
0xb1: {  	_ =	task.clear_ibuf [dreg:s7], $0x5FFFF;
	_ =	strace $0x90000046  }
0xb2: {  	s29 =	simm.s32 $0x9;
	_ =	strace $0x80000048  }
0xb3: {  	_ =	swait.ge [sflag:s29], $0x1  }
0xb4: {  	[sflag:s29] =	ssyncadd.s32 $0xFFFFFFFF  }
0xb5: {  	_ =	strace $0x90000048  }
0xb6: {  	_ =	sfence  }
0xb7: {  	s30 =	sld [smem:$0x0];
	_ =	sdelay $0x2  }
0xb8: {  	s31 =	sshll.u32 s1, $0xD;
	s1 =	sshrl.u32 s1, $0x2  }
0xb9: {  	s3 =	sand.u32 $0x4000, s31;
	s1 =	sadd.s32 s1, s30  }
0xba: {  	s0 =	sor.u32 s3, s0;
	s1 =	sshll.u32 s1, $0x11  }
0xbb: {  	s0 =	sor.u32 s1, s0  }
0xbc: {  	s0 =	sadd.s32 $0x8F2B, s0  }
0xbd: {  	[sflag:s0] =	ssyncadd.remote.s32 $0x1  }
0xbe: {  	_ =	sfence.sel $0xFFFF  }
0xbf: {  	[dreg:$0x0] =	wrdreg $0xFFFFFFFF;
	(pc) =	sbr.abs _section_cstart, $3  }
0xc0: {  	[dreg:$0x1] =	wrdreg $0xFFFFFFFF  }
0xc1: {  	_ =	task.clear_ibuf [dreg:s7], $0x2FFFF;
	_ =	strace $0x9FFFFFFF  }
0xc2: {  	(tm) =	ssettm $0x7FFFFFFF  }
0xc3: {  	_ =	shalt  }
tec
execute0_lowered:
.L_overlay_start_1:
0x0: {  	(tag) =	ssettag $0x1  }
0x1: {  	s0 =	rddreg [dreg:$0x0]  }
0x2: {  	s1 =	rddreg [dreg:$0x1];
	s2 =	simm.s32 $0x0;
	s3 =	srdreg.scid  }
0x3: {  	s8 =	stileid.u32;
	s24 =	simm.s32 $0x1;
	s25 =	simm.s32 $0x80  }
0x4: {  	s28 =	simm.s32 $0x8000;
	s29 =	simm.s32 $0x2;
	s30 =	simm.s32 $0x0  }
0x5: {  	[smem:$0x7FF] =	sst s2;
	s3 =	sand.u32 $0x1, s3;
	s5 =	smul.u32 $0x9E, s8  }
0x6: {  	s7 =	smul.u32 $0x272, s8;
	s8 =	sshll.u32 s8, $0x10;
	_ =	strace $0x80000047  }
0x7: {  	s4 =	sshll.u32 s3, $0x7;
	s26 =	ssub.s32 $0x2, s3;
	s3 =	sshll.u32 s3, $0xC  }
0x8: {  	s6 =	sadd.s32 s4, s1;
	s11 =	sadd.s32 s5, s1;
	s4 =	sor.u32 s4, s8  }
0x9: {  	s18 =	sadd.s32 s7, s1;
	s31 =	sshrl.u32 s26, $0x1;
	s3 =	sadd.s32 s0, s3  }
0xa: {  	s4 =	sshrl.u32 s4, $0x3;
	s20 =	ssub.s32 s26, s31;
	s5 =	sadd.s32 $0x1200, s6  }
0xb: {  	s7 =	sadd.s32 $0x1E00, s11;
	s8 =	sadd.s32 $0x2800, s11;
	s9 =	sadd.s32 $0x3200, s11  }
0xc: {  	s10 =	sadd.s32 $0x3C00, s11;
	s12 =	sadd.s32 $0x7800, s18;
	s13 =	sadd.s32 $0xA000, s18  }
0xd: {  	s14 =	sadd.s32 $0xC800, s18;
	s15 =	sadd.s32 $0xF000, s18;
	s16 =	sadd.s32 $0x5000, s18  }
0xe: {  	s17 =	sadd.s32 $0x11800, s18;
	s18 =	sadd.s32 $0x14000, s18;
	s26 =	simm.s32 $0x100  }
0xf: {  	s1 =	sadd.s32 s4, s1;
	s4 =	sadd.s32 $0x1000, s6;
	s6 =	sadd.s32 $0x1400, s11  }
0x10: {  	v0 =	vimm.f32 $0.0e+00;
	s11 =	sadd.s32 $0x4600, s11;
	s20 =	smax.u32 s20, $0x1;
	s19 =	sadd.s32 $0x16800, s1  }
.LBB2_1:
0x11: {  	[tilespmem:s2], [sflag:$0x1] =	stream.linear.gather [hbm4b:s3+s2], $0x8000, $0x38;
	[tilespmem:$0x1B200] =	vst v63  }
0x12: {  	s0 =	simm.s32 $0x10000  }
0x13: {  	[tilespmem:s0], [sflag:$0x1] =	stream.linear.gather [hbm4b:s4+s2], $0x400, $0x38;
	[tilespmem:$0x1B200] =	vst v63  }
0x14: {  	s21 =	simm.s32 $0x10400  }
0x15: {  	[tilespmem:s21], [sflag:$0x1] =	stream.linear.gather [hbm4b:s5+s2], $0x400, $0x38;
	[tilespmem:$0x1B200] =	vst v63  }
0x16: {  	s22 =	simm.s32 $0x10800  }
0x17: {  	[tilespmem:s22], [sflag:$0x1] =	stream.linear.gather [hbm4b:s6+s2], $0x4F0, $0x38;
	[tilespmem:$0x1B200] =	vst v63  }
0x18: {  	s23 =	simm.s32 $0x10D00  }
0x19: {  	[tilespmem:s23], [sflag:$0x1] =	stream.linear.gather [hbm4b:s7+s2], $0x4F0, $0x38;
	[tilespmem:$0x1B200] =	vst v63  }
0x1a: {  	s31 =	simm.s32 $0x11200  }
0x1b: {  	[tilespmem:s31], [sflag:$0x1] =	stream.linear.gather [hbm4b:s8+s2], $0x4F0, $0x38;
	[tilespmem:$0x1B200] =	vst v63  }
0x1c: {  	s1 =	simm.s32 $0x11700  }
0x1d: {  	[tilespmem:s1], [sflag:$0x1] =	stream.linear.gather [hbm4b:s9+s2], $0x4F0, $0x38;
	[tilespmem:$0x1B200] =	vst v63  }
0x1e: {  	s21 =	simm.s32 $0x11C00  }
0x1f: {  	[tilespmem:s21], [sflag:$0x1] =	stream.linear.gather [hbm4b:s10+s2], $0x4F0, $0x38;
	[tilespmem:$0x1B200] =	vst v63  }
0x20: {  	s22 =	simm.s32 $0x12100  }
0x21: {  	[tilespmem:s22], [sflag:$0x1] =	stream.linear.gather [hbm4b:s11+s2], $0x4F0, $0x38;
	[tilespmem:$0x1B200] =	vst v63  }
0x22: {  	s23 =	simm.s32 $0x12600  }
0x23: {  	[tilespmem:s23], [sflag:$0x1] =	stream.linear.gather [hbm4b:s12+s2], $0x1390, $0x38;
	[tilespmem:$0x1B200] =	vst v63  }
0x24: {  	s31 =	simm.s32 $0x13A00  }
0x25: {  	[tilespmem:s31], [sflag:$0x1] =	stream.linear.gather [hbm4b:s13+s2], $0x1390, $0x38;
	[tilespmem:$0x1B200] =	vst v63  }
0x26: {  	s1 =	simm.s32 $0x14E00  }
0x27: {  	[tilespmem:s1], [sflag:$0x1] =	stream.linear.gather [hbm4b:s14+s2], $0x1390, $0x38;
	[tilespmem:$0x1B200] =	vst v63  }
0x28: {  	s21 =	simm.s32 $0x16200  }
0x29: {  	[tilespmem:s21], [sflag:$0x1] =	stream.linear.gather [hbm4b:s15+s2], $0x1390, $0x38;
	[tilespmem:$0x1B200] =	vst v63  }
0x2a: {  	s22 =	simm.s32 $0x17600  }
0x2b: {  	[tilespmem:s22], [sflag:$0x1] =	stream.linear.gather [hbm4b:s16+s2], $0x1390, $0x38;
	[tilespmem:$0x1B200] =	vst v63  }
0x2c: {  	s23 =	simm.s32 $0x18A00  }
0x2d: {  	[tilespmem:s23], [sflag:$0x1] =	stream.linear.gather [hbm4b:s17+s2], $0x1390, $0x38;
	[tilespmem:$0x1B200] =	vst v63  }
0x2e: {  	s0 =	simm.s32 $0x0;
	s31 =	simm.s32 $0x19E00;
	s1 =	simm.s32 $0x200  }
0x2f: {  	[tilespmem:s31], [sflag:$0x1] =	stream.linear.gather [hbm4b:s18+s2], $0x1390, $0x38;
	[tilespmem:$0x1B200] =	vst v63  }
.LBB2_2:
0x30: {  	p0 =	sne.s32 s1, $0x1FE00;
	[tilespmem:s0+$0x8070] =	vst v0  }
0x31: {  	[tilespmem:s0+$0x8000] =	vst v0  }
0x32: {  	[tilespmem:s0+$0x8010] =	vst v0  }
.Ltmp0:
0x33: {  	[tilespmem:s0+$0x8020] =	vst v0;
	(pc) =	sbr.rel @p0 .LBB2_2-.Ltmp0, $4  }
0x34: {  	[tilespmem:s0+$0x8030] =	vst v0  }
0x35: {  	[tilespmem:s0+$0x8040] =	vst v0  }
0x36: {  	[tilespmem:s0+$0x8050] =	vst v0  }
0x37: {  	[tilespmem:s0+$0x8060] =	vst v0;
	s0 =	sshra.s32 s1, $0x2;
	s1 =	sadd.s32 $0x200, s1  }
0x38: {  	[tilespmem:s0+$0x8070] =	vst v0  }
0x39: {  	[tilespmem:s0+$0x8000] =	vst v0  }
0x3a: {  	[tilespmem:s0+$0x8010] =	vst v0  }
0x3b: {  	[tilespmem:s0+$0x8020] =	vst v0  }
0x3c: {  	[tilespmem:s0+$0x8030] =	vst v0  }
0x3d: {  	[tilespmem:s0+$0x8040] =	vst v0  }
0x3e: {  	[tilespmem:s0+$0x8050] =	vst v0  }
0x3f: {  	[tilespmem:s0+$0x8060] =	vst v0  }
0x40: {  	_ =	swait.ge [sflag:s24], $0x8000  }
0x41: {  	[sflag:s24] =	ssyncset.done $0x0  }
0x42: {  	[sflag:s24] =	ssyncadd.s32 $0xFFFF8000  }
0x43: {  	_ =	swait.ge [sflag:s24], $0x400  }
0x44: {  	[sflag:s24] =	ssyncset.done $0x0  }
0x45: {  	[sflag:s24] =	ssyncadd.s32 $0xFFFFFC00  }
0x46: {  	_ =	swait.ge [sflag:s24], $0x400  }
0x47: {  	[sflag:s24] =	ssyncset.done $0x0  }
0x48: {  	[sflag:s24] =	ssyncadd.s32 $0xFFFFFC00  }
0x49: {  	_ =	swait.ge [sflag:s24], $0x4F0  }
0x4a: {  	[sflag:s24] =	ssyncset.done $0x0  }
0x4b: {  	[sflag:s24] =	ssyncadd.s32 $0xFFFFFB10  }
0x4c: {  	_ =	swait.ge [sflag:s24], $0x4F0  }
0x4d: {  	[sflag:s24] =	ssyncset.done $0x0  }
0x4e: {  	[sflag:s24] =	ssyncadd.s32 $0xFFFFFB10  }
0x4f: {  	_ =	swait.ge [sflag:s24], $0x4F0  }
0x50: {  	[sflag:s24] =	ssyncset.done $0x0  }
0x51: {  	[sflag:s24] =	ssyncadd.s32 $0xFFFFFB10  }
0x52: {  	_ =	swait.ge [sflag:s24], $0x4F0  }
0x53: {  	[sflag:s24] =	ssyncset.done $0x0  }
0x54: {  	[sflag:s24] =	ssyncadd.s32 $0xFFFFFB10  }
0x55: {  	_ =	swait.ge [sflag:s24], $0x4F0  }
0x56: {  	[sflag:s24] =	ssyncset.done $0x0  }
0x57: {  	[sflag:s24] =	ssyncadd.s32 $0xFFFFFB10  }
0x58: {  	_ =	swait.ge [sflag:s24], $0x4F0  }
0x59: {  	[sflag:s24] =	ssyncset.done $0x0  }
0x5a: {  	[sflag:s24] =	ssyncadd.s32 $0xFFFFFB10  }
0x5b: {  	_ =	swait.ge [sflag:s24], $0x1390  }
0x5c: {  	[sflag:s24] =	ssyncset.done $0x0  }
0x5d: {  	[sflag:s24] =	ssyncadd.s32 $0xFFFFEC70  }
0x5e: {  	_ =	swait.ge [sflag:s24], $0x1390  }
0x5f: {  	[sflag:s24] =	ssyncset.done $0x0  }
0x60: {  	[sflag:s24] =	ssyncadd.s32 $0xFFFFEC70  }
0x61: {  	_ =	swait.ge [sflag:s24], $0x1390  }
0x62: {  	[sflag:s24] =	ssyncset.done $0x0  }
0x63: {  	[sflag:s24] =	ssyncadd.s32 $0xFFFFEC70  }
0x64: {  	_ =	swait.ge [sflag:s24], $0x1390  }
0x65: {  	[sflag:s24] =	ssyncset.done $0x0  }
0x66: {  	[sflag:s24] =	ssyncadd.s32 $0xFFFFEC70  }
0x67: {  	_ =	swait.ge [sflag:s24], $0x1390  }
0x68: {  	[sflag:s24] =	ssyncset.done $0x0  }
0x69: {  	[sflag:s24] =	ssyncadd.s32 $0xFFFFEC70  }
0x6a: {  	_ =	swait.ge [sflag:s24], $0x1390  }
0x6b: {  	[sflag:s24] =	ssyncset.done $0x0  }
0x6c: {  	[sflag:s24] =	ssyncadd.s32 $0xFFFFEC70  }
0x6d: {  	_ =	swait.ge [sflag:s24], $0x1390  }
0x6e: {  	[sflag:s24] =	ssyncset.done $0x0  }
0x6f: {  	s31 =	simm.s32 $0x0;
	[sflag:s24] =	ssyncadd.s32 $0xFFFFEC70  }
.LBB2_4:
0x70: {  	s0 =	sshll.u32 s31, $0x4  }
0x71: {  	v3 =	vld [tilespmem:s0+$0x12600]  }
0x72: {  	v4 =	vld [tilespmem:s0+$0x13A00]  }
0x73: {  	v2 =	vld [tilespmem:s0+$0x14E00]  }
0x74: {  	v1 =	vld [tilespmem:s0+$0x16200]  }
0x75: {  	v5 =	vld [tilespmem:s0+$0x17600]  }
0x76: {  	v6 =	vld [tilespmem:s0+$0x18A00]  }
0x77: {  	s1 =	simm.s32 $0x10040;
	v7 =	vld [tilespmem:s0+$0x19E00]  }
0x78: {  	v11 =	vld [tilespmem:s1+$0xFFFFFFC0]  }
0x79: {  	v13 =	vld [tilespmem:s1+$0xFFFFFFE0]  }
0x7a: {  	s0 =	simm.s32 $0x10440;
	v14 =	vld [tilespmem:s1+$0xFFFFFFD0]  }
0x7b: {  	v10 =	vld [tilespmem:s0+$0xFFFFFFC0]  }
0x7c: {  	v19 =	vld [tilespmem:s1+$0xFFFFFFF0]  }
0x7d: {  	v47 =	vld [tilespmem:s1+$0x10]  }
0x7e: {  	v12 =	vld [tilespmem:s0+$0xFFFFFFE0]  }
0x7f: {  	v8 =	vld [tilespmem:s0+$0xFFFFFFD0]  }
0x80: {  	v50 =	vld [tilespmem:s1+$0x20];
	v11 =	vmul.f32 v11, v6;
	v10 =	vmul.f32 v10, v7  }
0x81: {  	v29 =	vld [tilespmem:s1+$0x30]  }
0x82: {  	v9 =	vld [tilespmem:s0+$0x30];
	v14 =	vmul.f32 v14, v6;
	v10 =	vadd.f32 v10, v11  }
0x83: {  	v46 =	vld [tilespmem:s0+$0xFFFFFFF0];
	v12 =	vmul.f32 v12, v7;
	v11 =	vmul.f32 v13, v6  }
0x84: {  	v22 =	vld [tilespmem:s0+$0x10];
	v8 =	vmul.f32 v8, v7;
	v10 =	vmul.f32 $1.442695020e+00, v10  }
0x85: {  	s21 =	simm.s32 $0x0;
	v26 =	vld [tilespmem:s0+$0x20];
	v11 =	vadd.f32 v12, v11  }
0x86: {  	v15 =	vld.idx.msk [tilespmem:v4+s21+$0xE00], $0xffff;
	v8 =	vadd.f32 v8, v14;
	(erf) = vpow2.f32 v10  }
0x87: {  	v16 =	vld.idx.msk [tilespmem:v3+s21+$0xC00], $0xffff;
	v11 =	vmul.f32 $1.442695020e+00, v11  }
0x88: {  	v17 =	vld.idx.msk [tilespmem:v4+s21+$0xC00], $0xffff;
	v8 =	vmul.f32 $1.442695020e+00, v8  }
0x89: {  	(erf) = vpow2.f32 v11;
	v11 =	vld [tilespmem:s0+$0x0]  }
0x8a: {  	(erf) = vpow2.f32 v8;
	v8 =	vld [tilespmem:s1+$0x0]  }
0x8b: {  	v19 =	vmul.f32 v19, v6;
	v44 =	vld.idx.msk [tilespmem:v3+s21+$0xE00], $0xffff;
	v14 =	vmul.f32 v46, v7  }
0x8c: {  	v18 =	vld.idx.msk [tilespmem:v4+s21+$0xA00], $0xffff  }
0x8d: {  	v21 =	vld.idx.msk [tilespmem:v3+s21+$0x0], $0xffff;
	v14 =	vadd.f32 v14, v19  }
0x8e: {  	v45 =	vld.idx.msk [tilespmem:v3+s21+$0xA00], $0xffff;
	v11 =	vmul.f32 v11, v7  }
0x8f: {  	v23 =	vld.idx.msk [tilespmem:v4+s21+$0x0], $0xffff;
	v14 =	vmul.f32 $1.442695020e+00, v14;
	v8 =	vmul.f32 v8, v6;
	v25 =	vpop (erf)  }
0x90: {  	v20 =	vld.idx.msk [tilespmem:v3+s21+$0x800], $0xffff;
	v25 =	vmul.f32 v25, v5  }
0x91: {  	v24 =	vld.idx.msk [tilespmem:v3+s21+$0x200], $0xffff;
	(erf) = vpow2.f32 v14;
	v8 =	vadd.f32 v11, v8  }
0x92: {  	v49 =	vmul.f32 v22, v7;
	v27 =	vld.idx.msk [tilespmem:v4+s21+$0x200], $0xffff;
	v11 =	vpop (erf);
	v48 =	vmul.f32 v25, v21  }
0x93: {  	v28 =	vld.idx.msk [tilespmem:v3+s21+$0x400], $0xffff;
	v19 =	vmul.f32 v47, v6;
	v51 =	vpop (erf);
	v8 =	vmul.f32 $1.442695020e+00, v8  }
0x94: {  	v52 =	vld.idx.msk [tilespmem:v4+s21+$0x600], $0xffff;
	v25 =	vmul.f32 v51, v5;
	v14 =	vmul.f32 v48, v23  }
0x95: {  	v22 =	vmul.f32 v50, v6;
	v53 =	vld.idx.msk [tilespmem:v4+s21+$0x400], $0xffff;
	v19 =	vadd.f32 v49, v19  }
0x96: {  	v10 =	vld.idx.msk [tilespmem:v4+s21+$0x800], $0xffff;
	(erf) = vpow2.f32 v8;
	v24 =	vmul.f32 v25, v24;
	v54 =	vsub.f32 $0.0e+00, v14  }
0x97: {  	v26 =	vmul.f32 v26, v7;
	v8 =	vmul.f32 v11, v5;
	v11 =	vld.idx.msk [tilespmem:v3+s21+$0x600], $0xffff  }
0x98: {  	v19 =	vmul.f32 $1.442695020e+00, v19;
	v24 =	vmul.f32 v24, v27;
	[tilespmem:v3+s21+$0x8000] =	vst.idx.add.f32.msk $0xffff, v54  }
0x99: {  	v58 =	vmul.f32 v29, v6;
	v22 =	vadd.f32 v26, v22;
	[tilespmem:v4+s21+$0x8000] =	vst.idx.add.f32.msk $0xffff, v54  }
0x9a: {  	v8 =	vmul.f32 v8, v28;
	v56 =	vpop (erf);
	(erf) = vpow2.f32 v19;
	v55 =	vsub.f32 $0.0e+00, v24;
	[tilespmem:v2+s21+$0x8000] =	vst.idx.add.f32.msk $0xffff, v14  }
0x9b: {  	v9 =	vmul.f32 v9, v7;
	v22 =	vmul.f32 $1.442695020e+00, v22;
	[tilespmem:v1+s21+$0x8000] =	vst.idx.add.f32.msk $0xffff, v14  }
0x9c: {  	v8 =	vmul.f32 v8, v53;
	v57 =	vmul.f32 v56, v5;
	[tilespmem:v3+s21+$0x8200] =	vst.idx.add.f32.msk $0xffff, v55  }
0x9d: {  	v9 =	vadd.f32 v9, v58;
	[tilespmem:v4+s21+$0x8200] =	vst.idx.add.f32.msk $0xffff, v55  }
0x9e: {  	(erf) = vpow2.f32 v22;
	v59 =	vsub.f32 $0.0e+00, v8;
	v11 =	vmul.f32 v57, v11;
	[tilespmem:v2+s21+$0x8200] =	vst.idx.add.f32.msk $0xffff, v24  }
0x9f: {  	v9 =	vmul.f32 $1.442695020e+00, v9;
	v60 =	vpop (erf);
	[tilespmem:v1+s21+$0x8200] =	vst.idx.add.f32.msk $0xffff, v24  }
0xa0: {  	v11 =	vmul.f32 v11, v52;
	v19 =	vmul.f32 v60, v5;
	[tilespmem:v3+s21+$0x8400] =	vst.idx.add.f32.msk $0xffff, v59  }
0xa1: {  	[tilespmem:v4+s21+$0x8400] =	vst.idx.add.f32.msk $0xffff, v59  }
0xa2: {  	(erf) = vpow2.f32 v9;
	v62 =	vsub.f32 $0.0e+00, v11;
	v61 =	vmul.f32 v19, v20;
	[tilespmem:v2+s21+$0x8400] =	vst.idx.add.f32.msk $0xffff, v8  }
0xa3: {  	[tilespmem:v1+s21+$0x8400] =	vst.idx.add.f32.msk $0xffff, v8;
	v8 =	vpop (erf)  }
0xa4: {  	v9 =	vmul.f32 v61, v10;
	v8 =	vmul.f32 v8, v5;
	[tilespmem:v3+s21+$0x8600] =	vst.idx.add.f32.msk $0xffff, v62  }
0xa5: {  	[tilespmem:v4+s21+$0x8600] =	vst.idx.add.f32.msk $0xffff, v62  }
0xa6: {  	v10 =	vsub.f32 $0.0e+00, v9;
	v8 =	vmul.f32 v8, v45;
	[tilespmem:v2+s21+$0x8600] =	vst.idx.add.f32.msk $0xffff, v11  }
0xa7: {  	v63 =	vpop (erf);
	[tilespmem:v1+s21+$0x8600] =	vst.idx.add.f32.msk $0xffff, v11  }
0xa8: {  	v11 =	vmul.f32 v63, v5;
	v8 =	vmul.f32 v8, v18;
	[tilespmem:v3+s21+$0x8800] =	vst.idx.add.f32.msk $0xffff, v10  }
0xa9: {  	[tilespmem:v4+s21+$0x8800] =	vst.idx.add.f32.msk $0xffff, v10  }
0xaa: {  	v10 =	vmul.f32 v11, v16;
	[tilespmem:v2+s21+$0x8800] =	vst.idx.add.f32.msk $0xffff, v9;
	v11 =	vsub.f32 $0.0e+00, v8  }
0xab: {  	[tilespmem:v1+s21+$0x8800] =	vst.idx.add.f32.msk $0xffff, v9;
	v9 =	vpop (erf)  }
0xac: {  	v10 =	vmul.f32 v10, v17;
	v9 =	vmul.f32 v9, v5;
	[tilespmem:v3+s21+$0x8A00] =	vst.idx.add.f32.msk $0xffff, v11  }
0xad: {  	[tilespmem:v4+s21+$0x8A00] =	vst.idx.add.f32.msk $0xffff, v11  }
0xae: {  	v11 =	vsub.f32 $0.0e+00, v10;
	v9 =	vmul.f32 v9, v44;
	[tilespmem:v2+s21+$0x8A00] =	vst.idx.add.f32.msk $0xffff, v8  }
0xaf: {  	[tilespmem:v1+s21+$0x8A00] =	vst.idx.add.f32.msk $0xffff, v8  }
0xb0: {  	v8 =	vmul.f32 v9, v15;
	[tilespmem:v3+s21+$0x8C00] =	vst.idx.add.f32.msk $0xffff, v11  }
0xb1: {  	[tilespmem:v4+s21+$0x8C00] =	vst.idx.add.f32.msk $0xffff, v11  }
0xb2: {  	[tilespmem:v2+s21+$0x8C00] =	vst.idx.add.f32.msk $0xffff, v10;
	v9 =	vsub.f32 $0.0e+00, v8  }
0xb3: {  	[tilespmem:v1+s21+$0x8C00] =	vst.idx.add.f32.msk $0xffff, v10  }
0xb4: {  	[tilespmem:v3+s21+$0x8E00] =	vst.idx.add.f32.msk $0xffff, v9  }
0xb5: {  	s22 =	simm.s32 $0x4000;
	[tilespmem:v4+s21+$0x8E00] =	vst.idx.add.f32.msk $0xffff, v9  }
.LBB2_5:
0xb6: {  	p0 =	sne.s32 s22, $0x1C000;
	[tilespmem:v2+s21+$0x8E00] =	vst.idx.add.f32.msk $0xffff, v8;
	s1 =	sadd.s32 $0x80, s1;
	s0 =	sadd.s32 $0x80, s0  }
0xb7: {  	[tilespmem:v1+s21+$0x8E00] =	vst.idx.add.f32.msk $0xffff, v8;
	s21 =	smov.u32 s22;
	s22 =	sadd.s32 $0x4000, s22  }
0xb8: {  	v12 =	vld [tilespmem:s0+$0xFFFFFFD0]  }
0xb9: {  	v8 =	vld [tilespmem:s0+$0x30]  }
0xba: {  	v9 =	vld [tilespmem:s0+$0xFFFFFFC0]  }
0xbb: {  	v10 =	vld [tilespmem:s1+$0xFFFFFFC0]  }
0xbc: {  	v13 =	vld [tilespmem:s0+$0xFFFFFFE0]  }
0xbd: {  	v14 =	vld [tilespmem:s1+$0xFFFFFFE0]  }
0xbe: {  	s21 =	sshra.s32 s21, $0x2;
	v15 =	vld [tilespmem:s1+$0xFFFFFFD0];
	v16 =	vmul.f32 v8, v7  }
0xbf: {  	v8 =	vld.idx.msk [tilespmem:v4+s21+$0xE00], $0xffff  }
0xc0: {  	v9 =	vmul.f32 v9, v7;
	v17 =	vmul.f32 v10, v6;
	v11 =	vld.idx.msk [tilespmem:v3+s21+$0xC00], $0xffff  }
0xc1: {  	v10 =	vld.idx.msk [tilespmem:v4+s21+$0xC00], $0xffff  }
0xc2: {  	v13 =	vmul.f32 v13, v7;
	v17 =	vadd.f32 v9, v17;
	v14 =	vmul.f32 v14, v6;
	v9 =	vld.idx.msk [tilespmem:v3+s21+$0xE00], $0xffff  }
0xc3: {  	v18 =	vmul.f32 v12, v7;
	v15 =	vmul.f32 v15, v6;
	v12 =	vld.idx.msk [tilespmem:v4+s21+$0xA00], $0xffff  }
0xc4: {  	v17 =	vmul.f32 $1.442695020e+00, v17;
	v13 =	vadd.f32 v13, v14;
	v14 =	vld.idx.msk [tilespmem:v3+s21+$0xA00], $0xffff  }
0xc5: {  	v15 =	vadd.f32 v18, v15;
	v18 =	vld [tilespmem:s0+$0xFFFFFFF0]  }
0xc6: {  	v13 =	vmul.f32 $1.442695020e+00, v13;
	v19 =	vld [tilespmem:s1+$0xFFFFFFF0];
	(erf) = vpow2.f32 v17  }
0xc7: {  	v15 =	vmul.f32 $1.442695020e+00, v15;
	v17 =	vld.idx.msk [tilespmem:v4+s21+$0x800], $0xffff  }
0xc8: {  	v20 =	vld.idx.msk [tilespmem:v3+s21+$0x800], $0xffff;
	(erf) = vpow2.f32 v13  }
0xc9: {  	v13 =	vld [tilespmem:s0+$0x0];
	(erf) = vpow2.f32 v15  }
0xca: {  	v15 =	vld [tilespmem:s1+$0x0]  }
0xcb: {  	v18 =	vmul.f32 v18, v7;
	v21 =	vld.idx.msk [tilespmem:v3+s21+$0x0], $0xffff;
	v19 =	vmul.f32 v19, v6  }
0xcc: {  	v22 =	vld [tilespmem:s0+$0x10]  }
0xcd: {  	v23 =	vld.idx.msk [tilespmem:v4+s21+$0x0], $0xffff;
	v18 =	vadd.f32 v18, v19  }
0xce: {  	v13 =	vmul.f32 v13, v7;
	v19 =	vld [tilespmem:s1+$0x10]  }
0xcf: {  	v24 =	vld.idx.msk [tilespmem:v3+s21+$0x200], $0xffff;
	v18 =	vmul.f32 $1.442695020e+00, v18;
	v28 =	vmul.f32 v15, v6;
	v25 =	vpop (erf)  }
0xd0: {  	v29 =	vmul.f32 v25, v5;
	v26 =	vld [tilespmem:s0+$0x20]  }
0xd1: {  	v27 =	vld.idx.msk [tilespmem:v4+s21+$0x200], $0xffff;
	v13 =	vadd.f32 v13, v28;
	v15 =	vpop (erf);
	(erf) = vpow2.f32 v18  }
0xd2: {  	v18 =	vmul.f32 v29, v21;
	v21 =	vmul.f32 v22, v7;
	v22 =	vld [tilespmem:s1+$0x20];
	v25 =	vpop (erf)  }
0xd3: {  	v25 =	vmul.f32 v25, v5;
	v28 =	vld.idx.msk [tilespmem:v3+s21+$0x400], $0xffff;
	v13 =	vmul.f32 $1.442695020e+00, v13  }
0xd4: {  	v19 =	vmul.f32 v19, v6;
	v18 =	vmul.f32 v18, v23;
	v23 =	vld.idx.msk [tilespmem:v4+s21+$0x600], $0xffff  }
0xd5: {  	v24 =	vmul.f32 v25, v24;
	v25 =	vld.idx.msk [tilespmem:v4+s21+$0x400], $0xffff;
	(erf) = vpow2.f32 v13  }
0xd6: {  	v13 =	vmul.f32 v15, v5;
	v19 =	vadd.f32 v21, v19;
	v15 =	vld.idx.msk [tilespmem:v3+s21+$0x600], $0xffff;
	v21 =	vsub.f32 $0.0e+00, v18  }
0xd7: {  	v30 =	vmul.f32 v26, v7;
	v22 =	vmul.f32 v22, v6;
	v29 =	vld [tilespmem:s1+$0x30]  }
0xd8: {  	v24 =	vmul.f32 v24, v27;
	v19 =	vmul.f32 $1.442695020e+00, v19;
	[tilespmem:v3+s21+$0x8000] =	vst.idx.add.f32.msk $0xffff, v21  }
0xd9: {  	v13 =	vmul.f32 v13, v28;
	v22 =	vadd.f32 v30, v22;
	[tilespmem:v4+s21+$0x8000] =	vst.idx.add.f32.msk $0xffff, v21  }
0xda: {  	v21 =	vsub.f32 $0.0e+00, v24;
	[tilespmem:v2+s21+$0x8000] =	vst.idx.add.f32.msk $0xffff, v18;
	v26 =	vpop (erf);
	(erf) = vpow2.f32 v19  }
0xdb: {  	v26 =	vmul.f32 v26, v5;
	v22 =	vmul.f32 $1.442695020e+00, v22;
	[tilespmem:v1+s21+$0x8000] =	vst.idx.add.f32.msk $0xffff, v18  }
0xdc: {  	v13 =	vmul.f32 v13, v25;
	v18 =	vmul.f32 v29, v6;
	[tilespmem:v3+s21+$0x8200] =	vst.idx.add.f32.msk $0xffff, v21  }
0xdd: {  	v15 =	vmul.f32 v26, v15;
	[tilespmem:v4+s21+$0x8200] =	vst.idx.add.f32.msk $0xffff, v21;
	(erf) = vpow2.f32 v22  }
0xde: {  	v16 =	vadd.f32 v16, v18;
	[tilespmem:v2+s21+$0x8200] =	vst.idx.add.f32.msk $0xffff, v24;
	v18 =	vsub.f32 $0.0e+00, v13;
	v19 =	vpop (erf)  }
0xdf: {  	v19 =	vmul.f32 v19, v5;
	[tilespmem:v1+s21+$0x8200] =	vst.idx.add.f32.msk $0xffff, v24  }
0xe0: {  	v15 =	vmul.f32 v15, v23;
	v16 =	vmul.f32 $1.442695020e+00, v16;
	[tilespmem:v3+s21+$0x8400] =	vst.idx.add.f32.msk $0xffff, v18  }
0xe1: {  	v19 =	vmul.f32 v19, v20;
	[tilespmem:v4+s21+$0x8400] =	vst.idx.add.f32.msk $0xffff, v18  }
0xe2: {  	v18 =	vsub.f32 $0.0e+00, v15;
	[tilespmem:v2+s21+$0x8400] =	vst.idx.add.f32.msk $0xffff, v13;
	(erf) = vpow2.f32 v16  }
0xe3: {  	[tilespmem:v1+s21+$0x8400] =	vst.idx.add.f32.msk $0xffff, v13;
	v13 =	vpop (erf)  }
0xe4: {  	v16 =	vmul.f32 v19, v17;
	v13 =	vmul.f32 v13, v5;
	[tilespmem:v3+s21+$0x8600] =	vst.idx.add.f32.msk $0xffff, v18  }
0xe5: {  	[tilespmem:v4+s21+$0x8600] =	vst.idx.add.f32.msk $0xffff, v18  }
0xe6: {  	v13 =	vmul.f32 v13, v14;
	[tilespmem:v2+s21+$0x8600] =	vst.idx.add.f32.msk $0xffff, v15;
	v14 =	vsub.f32 $0.0e+00, v16;
	v17 =	vpop (erf)  }
0xe7: {  	v17 =	vmul.f32 v17, v5;
	[tilespmem:v1+s21+$0x8600] =	vst.idx.add.f32.msk $0xffff, v15  }
0xe8: {  	v12 =	vmul.f32 v13, v12;
	[tilespmem:v3+s21+$0x8800] =	vst.idx.add.f32.msk $0xffff, v14  }
0xe9: {  	v11 =	vmul.f32 v17, v11;
	[tilespmem:v4+s21+$0x8800] =	vst.idx.add.f32.msk $0xffff, v14  }
0xea: {  	[tilespmem:v2+s21+$0x8800] =	vst.idx.add.f32.msk $0xffff, v16;
	v13 =	vsub.f32 $0.0e+00, v12  }
0xeb: {  	[tilespmem:v1+s21+$0x8800] =	vst.idx.add.f32.msk $0xffff, v16;
	v14 =	vpop (erf)  }
0xec: {  	v10 =	vmul.f32 v11, v10;
	v11 =	vmul.f32 v14, v5;
	[tilespmem:v3+s21+$0x8A00] =	vst.idx.add.f32.msk $0xffff, v13  }
0xed: {  	[tilespmem:v4+s21+$0x8A00] =	vst.idx.add.f32.msk $0xffff, v13  }
0xee: {  	v9 =	vmul.f32 v11, v9;
	[tilespmem:v2+s21+$0x8A00] =	vst.idx.add.f32.msk $0xffff, v12;
	v11 =	vsub.f32 $0.0e+00, v10  }
0xef: {  	[tilespmem:v1+s21+$0x8A00] =	vst.idx.add.f32.msk $0xffff, v12  }
0xf0: {  	v8 =	vmul.f32 v9, v8;
	[tilespmem:v3+s21+$0x8C00] =	vst.idx.add.f32.msk $0xffff, v11  }
.Ltmp1:
0xf1: {  	[tilespmem:v4+s21+$0x8C00] =	vst.idx.add.f32.msk $0xffff, v11;
	(pc) =	sbr.rel @p0 .LBB2_5-.Ltmp1, $4  }
0xf2: {  	[tilespmem:v2+s21+$0x8C00] =	vst.idx.add.f32.msk $0xffff, v10;
	v9 =	vsub.f32 $0.0e+00, v8  }
0xf3: {  	[tilespmem:v1+s21+$0x8C00] =	vst.idx.add.f32.msk $0xffff, v10  }
0xf4: {  	[tilespmem:v3+s21+$0x8E00] =	vst.idx.add.f32.msk $0xffff, v9  }
0xf5: {  	[tilespmem:v4+s21+$0x8E00] =	vst.idx.add.f32.msk $0xffff, v9  }
0xf6: {  	s31 =	sadd.s32 $0x1, s31  }
0xf7: {  	p0 =	sne.s32 s31, $0x139  }
.Ltmp2:
0xf8: {  	_ = 	snop;
	(pc) =	sbr.rel @p0 .LBB2_4-.Ltmp2, $3  }
0xf9: {  	_ =	sdelay $0x1  }
0xfa: {  	[tilespmem:v2+s21+$0x8E00] =	vst.idx.add.f32.msk $0xffff, v8  }
0xfb: {  	s0 =	simm.s32 $0x0;
	[tilespmem:v1+s21+$0x8E00] =	vst.idx.add.f32.msk $0xffff, v8  }
.LBB2_7:
0xfc: {  	s22 =	sshll.u32 s0, $0x4  }
0xfd: {  	v1 =	vld [tilespmem:s22+$0x11C00]  }
0xfe: {  	s1 =	simm.s32 $0x10440;
	v2 =	vld [tilespmem:s22+$0x12100]  }
0xff: {  	s21 =	simm.s32 $0x10040;
	v5 =	vld [tilespmem:s1+$0xFFFFFFC0]  }
0x100: {  	v6 =	vld [tilespmem:s21+$0xFFFFFFC0]  }
0x101: {  	v3 =	vld [tilespmem:s22+$0x10800]  }
0x102: {  	v7 =	vld [tilespmem:s21+$0xFFFFFFD0]  }
0x103: {  	v8 =	vld [tilespmem:s1+$0xFFFFFFD0]  }
0x104: {  	v4 =	vld [tilespmem:s22+$0x10D00]  }
0x105: {  	v9 =	vld [tilespmem:s1+$0xFFFFFFE0];
	v6 =	vmul.f32 v6, v1;
	v10 =	vmul.f32 v5, v2  }
0x106: {  	v11 =	vld [tilespmem:s21+$0xFFFFFFE0]  }
0x107: {  	v12 =	vld [tilespmem:s1+$0xFFFFFFF0];
	v6 =	vadd.f32 v10, v6  }
0x108: {  	v13 =	vld [tilespmem:s21+$0x0];
	v7 =	vmul.f32 v7, v1;
	v8 =	vmul.f32 v8, v2  }
0x109: {  	v10 =	vld [tilespmem:s21+$0xFFFFFFF0];
	v6 =	vmul.f32 $1.442695020e+00, v6  }
0x10a: {  	v14 =	vld [tilespmem:s21+$0x10];
	v9 =	vmul.f32 v9, v2;
	v7 =	vadd.f32 v8, v7  }
0x10b: {  	v57 =	vld [tilespmem:s1+$0x30];
	v11 =	vmul.f32 v11, v1;
	(erf) = vpow2.f32 v6  }
0x10c: {  	v8 =	vld [tilespmem:s1+$0x0];
	v7 =	vmul.f32 $1.442695020e+00, v7  }
0x10d: {  	v12 =	vmul.f32 v12, v2;
	v9 =	vadd.f32 v9, v11;
	v11 =	vld [tilespmem:s1+$0x10]  }
0x10e: {  	s31 =	simm.s32 $0x0;
	v5 =	vld [tilespmem:s22+$0x11200];
	v10 =	vmul.f32 v10, v1;
	(erf) = vpow2.f32 v7  }
0x10f: {  	v56 =	vld.idx.msk [tilespmem:v3+s31+$0x0], $0xffff;
	v7 =	vmul.f32 $1.442695020e+00, v9  }
0x110: {  	v13 =	vmul.f32 v13, v1;
	v14 =	vmul.f32 v14, v1;
	v6 =	vld [tilespmem:s22+$0x11700];
	v10 =	vadd.f32 v12, v10  }
0x111: {  	v9 =	vld [tilespmem:s1+$0x20];
	v8 =	vmul.f32 v8, v2;
	(erf) = vpow2.f32 v7  }
0x112: {  	v11 =	vmul.f32 v11, v2;
	v7 =	vld [tilespmem:s21+$0x20];
	v10 =	vmul.f32 $1.442695020e+00, v10  }
0x113: {  	v15 =	vld.idx.msk [tilespmem:v3+s31+$0x200], $0xffff;
	v8 =	vadd.f32 v8, v13  }
0x114: {  	v17 =	vld.idx.msk [tilespmem:v3+s31+$0xE00], $0xffff;
	v11 =	vadd.f32 v11, v14;
	(erf) = vpow2.f32 v10;
	v16 =	vpop (erf)  }
0x115: {  	v8 =	vmul.f32 $1.442695020e+00, v8;
	v10 =	vld [tilespmem:s21+$0x30];
	v16 =	vmul.f32 v16, v6  }
0x116: {  	v59 =	vld.idx.msk [tilespmem:v3+s31+$0xC00], $0xffff;
	v11 =	vmul.f32 $1.442695020e+00, v11;
	v9 =	vmul.f32 v9, v2  }
0x117: {  	v18 =	vld.idx.msk [tilespmem:v3+s31+$0xA00], $0xffff;
	v7 =	vmul.f32 v7, v1;
	v58 =	vpop (erf);
	v12 =	vmul.f32 v16, v56  }
0x118: {  	(erf) = vpow2.f32 v8;
	v8 =	vld.idx.msk [tilespmem:v3+s31+$0x400], $0xffff;
	v14 =	vmul.f32 v58, v6  }
0x119: {  	v60 =	vld.idx.msk [tilespmem:v3+s31+$0x800], $0xffff;
	v7 =	vadd.f32 v9, v7;
	(erf) = vpow2.f32 v11;
	v19 =	vsub.f32 $0.0e+00, v12  }
0x11a: {  	v9 =	vmul.f32 v10, v1;
	v10 =	vld.idx.msk [tilespmem:v3+s31+$0x600], $0xffff;
	v20 =	vpop (erf);
	v14 =	vmul.f32 v14, v15  }
0x11b: {  	v7 =	vmul.f32 $1.442695020e+00, v7;
	v11 =	vmul.f32 v20, v6;
	[tilespmem:v3+s31+$0x8000] =	vst.idx.add.f32.msk $0xffff, v19  }
0x11c: {  	v13 =	vmul.f32 v57, v2;
	v61 =	vsub.f32 $0.0e+00, v14;
	[tilespmem:v4+s31+$0x8000] =	vst.idx.add.f32.msk $0xffff, v12  }
0x11d: {  	(erf) = vpow2.f32 v7;
	v8 =	vmul.f32 v11, v8;
	v62 =	vpop (erf);
	[tilespmem:v5+s31+$0x8000] =	vst.idx.add.f32.msk $0xffff, v12  }
0x11e: {  	v9 =	vadd.f32 v13, v9;
	v7 =	vmul.f32 v62, v6;
	[tilespmem:v3+s31+$0x8200] =	vst.idx.add.f32.msk $0xffff, v61  }
0x11f: {  	v11 =	vsub.f32 $0.0e+00, v8;
	[tilespmem:v4+s31+$0x8200] =	vst.idx.add.f32.msk $0xffff, v14  }
0x120: {  	v9 =	vmul.f32 $1.442695020e+00, v9;
	v7 =	vmul.f32 v7, v10;
	[tilespmem:v5+s31+$0x8200] =	vst.idx.add.f32.msk $0xffff, v14  }
0x121: {  	[tilespmem:v3+s31+$0x8400] =	vst.idx.add.f32.msk $0xffff, v11  }
0x122: {  	v63 =	vpop (erf);
	(erf) = vpow2.f32 v9;
	v9 =	vsub.f32 $0.0e+00, v7;
	[tilespmem:v4+s31+$0x8400] =	vst.idx.add.f32.msk $0xffff, v8  }
0x123: {  	v10 =	vmul.f32 v63, v6;
	[tilespmem:v5+s31+$0x8400] =	vst.idx.add.f32.msk $0xffff, v8  }
0x124: {  	[tilespmem:v3+s31+$0x8600] =	vst.idx.add.f32.msk $0xffff, v9  }
0x125: {  	v10 =	vmul.f32 v10, v60;
	v8 =	vpop (erf);
	[tilespmem:v4+s31+$0x8600] =	vst.idx.add.f32.msk $0xffff, v7  }
0x126: {  	v8 =	vmul.f32 v8, v6;
	[tilespmem:v5+s31+$0x8600] =	vst.idx.add.f32.msk $0xffff, v7;
	v7 =	vpop (erf)  }
0x127: {  	v9 =	vsub.f32 $0.0e+00, v10;
	v7 =	vmul.f32 v7, v6  }
0x128: {  	v8 =	vmul.f32 v8, v18  }
0x129: {  	[tilespmem:v3+s31+$0x8800] =	vst.idx.add.f32.msk $0xffff, v9  }
0x12a: {  	[tilespmem:v4+s31+$0x8800] =	vst.idx.add.f32.msk $0xffff, v10;
	v9 =	vsub.f32 $0.0e+00, v8  }
0x12b: {  	v11 =	vmul.f32 v7, v59;
	[tilespmem:v5+s31+$0x8800] =	vst.idx.add.f32.msk $0xffff, v10;
	v7 =	vpop (erf)  }
0x12c: {  	[tilespmem:v3+s31+$0x8A00] =	vst.idx.add.f32.msk $0xffff, v9;
	v7 =	vmul.f32 v7, v6  }
0x12d: {  	[tilespmem:v4+s31+$0x8A00] =	vst.idx.add.f32.msk $0xffff, v8;
	v9 =	vsub.f32 $0.0e+00, v11  }
0x12e: {  	[tilespmem:v5+s31+$0x8A00] =	vst.idx.add.f32.msk $0xffff, v8;
	v7 =	vmul.f32 v7, v17  }
0x12f: {  	[tilespmem:v3+s31+$0x8C00] =	vst.idx.add.f32.msk $0xffff, v9  }
0x130: {  	[tilespmem:v4+s31+$0x8C00] =	vst.idx.add.f32.msk $0xffff, v11;
	v8 =	vsub.f32 $0.0e+00, v7  }
0x131: {  	s22 =	simm.s32 $0x4000;
	[tilespmem:v5+s31+$0x8C00] =	vst.idx.add.f32.msk $0xffff, v11  }
.LBB2_8:
0x132: {  	p0 =	sne.s32 s22, $0x1C000;
	[tilespmem:v3+s31+$0x8E00] =	vst.idx.add.f32.msk $0xffff, v8;
	s21 =	sadd.s32 $0x80, s21;
	s1 =	sadd.s32 $0x80, s1  }
0x133: {  	s23 =	smov.u32 s22;
	s22 =	sadd.s32 $0x4000, s22;
	[tilespmem:v4+s31+$0x8E00] =	vst.idx.add.f32.msk $0xffff, v7  }
0x134: {  	[tilespmem:v5+s31+$0x8E00] =	vst.idx.add.f32.msk $0xffff, v7  }
0x135: {  	v7 =	vld [tilespmem:s1+$0xFFFFFFC0]  }
0x136: {  	v8 =	vld [tilespmem:s21+$0xFFFFFFC0]  }
0x137: {  	v9 =	vld [tilespmem:s21+$0xFFFFFFD0]  }
0x138: {  	v10 =	vld [tilespmem:s1+$0xFFFFFFD0]  }
0x139: {  	v11 =	vld [tilespmem:s1+$0xFFFFFFE0]  }
0x13a: {  	v12 =	vld [tilespmem:s21+$0xFFFFFFE0]  }
0x13b: {  	v7 =	vmul.f32 v7, v2;
	v8 =	vmul.f32 v8, v1  }
0x13c: {  	v13 =	vld [tilespmem:s1+$0xFFFFFFF0]  }
0x13d: {  	v7 =	vadd.f32 v7, v8;
	v8 =	vmul.f32 v9, v1;
	v9 =	vmul.f32 v10, v2;
	v10 =	vld [tilespmem:s21+$0xFFFFFFF0]  }
0x13e: {  	v11 =	vmul.f32 v11, v2  }
0x13f: {  	v7 =	vmul.f32 $1.442695020e+00, v7;
	v8 =	vadd.f32 v9, v8;
	v9 =	vmul.f32 v12, v1;
	v12 =	vld [tilespmem:s1+$0x0]  }
0x140: {  	v14 =	vld [tilespmem:s21+$0x0]  }
0x141: {  	v8 =	vmul.f32 $1.442695020e+00, v8;
	v9 =	vadd.f32 v11, v9;
	(erf) = vpow2.f32 v7  }
0x142: {  	v7 =	vmul.f32 v10, v1;
	v10 =	vmul.f32 v13, v2;
	v11 =	vld [tilespmem:s1+$0x10]  }
0x143: {  	v9 =	vmul.f32 $1.442695020e+00, v9;
	v13 =	vld [tilespmem:s21+$0x10];
	(erf) = vpow2.f32 v8  }
0x144: {  	s31 =	sshra.s32 s23, $0x2;
	v7 =	vadd.f32 v10, v7;
	v8 =	vmul.f32 v12, v2;
	v10 =	vld [tilespmem:s1+$0x20]  }
0x145: {  	v12 =	vld.idx.msk [tilespmem:v3+s31+$0x0], $0xffff;
	v14 =	vmul.f32 v14, v1;
	(erf) = vpow2.f32 v9  }
0x146: {  	v7 =	vmul.f32 $1.442695020e+00, v7;
	v9 =	vld [tilespmem:s21+$0x20]  }
0x147: {  	v8 =	vadd.f32 v8, v14;
	v11 =	vmul.f32 v11, v2;
	v14 =	vld [tilespmem:s1+$0x30]  }
0x148: {  	v15 =	vld.idx.msk [tilespmem:v3+s31+$0x200], $0xffff;
	v16 =	vmul.f32 v13, v1;
	(erf) = vpow2.f32 v7  }
0x149: {  	v7 =	vmul.f32 $1.442695020e+00, v8;
	v8 =	vld [tilespmem:s21+$0x30]  }
0x14a: {  	v10 =	vmul.f32 v10, v2;
	v11 =	vadd.f32 v11, v16;
	v13 =	vpop (erf)  }
0x14b: {  	v13 =	vmul.f32 v13, v6;
	v16 =	vld.idx.msk [tilespmem:v3+s31+$0xE00], $0xffff;
	(erf) = vpow2.f32 v7  }
0x14c: {  	v9 =	vmul.f32 v9, v1;
	v7 =	vld.idx.msk [tilespmem:v3+s31+$0x400], $0xffff;
	v14 =	vmul.f32 v14, v2;
	v17 =	vpop (erf)  }
0x14d: {  	v12 =	vmul.f32 v13, v12;
	v13 =	vmul.f32 v17, v6;
	v17 =	vld.idx.msk [tilespmem:v3+s31+$0xC00], $0xffff  }
0x14e: {  	v21 =	vmul.f32 $1.442695020e+00, v11;
	v9 =	vadd.f32 v10, v9;
	v18 =	vld.idx.msk [tilespmem:v3+s31+$0xA00], $0xffff;
	v8 =	vmul.f32 v8, v1;
	v10 =	vpop (erf)  }
0x14f: {  	v10 =	vmul.f32 v10, v6;
	v19 =	vld.idx.msk [tilespmem:v3+s31+$0x600], $0xffff;
	v20 =	vsub.f32 $0.0e+00, v12  }
0x150: {  	v13 =	vmul.f32 v13, v15;
	v15 =	vld.idx.msk [tilespmem:v3+s31+$0x800], $0xffff;
	v8 =	vadd.f32 v14, v8;
	(erf) = vpow2.f32 v21  }
0x151: {  	v14 =	vmul.f32 $1.442695020e+00, v9;
	[tilespmem:v3+s31+$0x8000] =	vst.idx.add.f32.msk $0xffff, v20;
	v11 =	vpop (erf)  }
0x152: {  	v7 =	vmul.f32 v10, v7;
	v10 =	vmul.f32 v11, v6;
	[tilespmem:v4+s31+$0x8000] =	vst.idx.add.f32.msk $0xffff, v12;
	v11 =	vsub.f32 $0.0e+00, v13  }
0x153: {  	v8 =	vmul.f32 $1.442695020e+00, v8;
	[tilespmem:v5+s31+$0x8000] =	vst.idx.add.f32.msk $0xffff, v12;
	(erf) = vpow2.f32 v14  }
0x154: {  	[tilespmem:v3+s31+$0x8200] =	vst.idx.add.f32.msk $0xffff, v11;
	v9 =	vpop (erf)  }
0x155: {  	v10 =	vmul.f32 v10, v19;
	v11 =	vsub.f32 $0.0e+00, v7;
	v9 =	vmul.f32 v9, v6;
	[tilespmem:v4+s31+$0x8200] =	vst.idx.add.f32.msk $0xffff, v13  }
0x156: {  	[tilespmem:v5+s31+$0x8200] =	vst.idx.add.f32.msk $0xffff, v13;
	(erf) = vpow2.f32 v8  }
0x157: {  	[tilespmem:v3+s31+$0x8400] =	vst.idx.add.f32.msk $0xffff, v11  }
0x158: {  	v8 =	vmul.f32 v9, v15;
	v9 =	vsub.f32 $0.0e+00, v10;
	[tilespmem:v4+s31+$0x8400] =	vst.idx.add.f32.msk $0xffff, v7  }
0x159: {  	[tilespmem:v5+s31+$0x8400] =	vst.idx.add.f32.msk $0xffff, v7;
	v7 =	vpop (erf)  }
0x15a: {  	v12 =	vmul.f32 v7, v6;
	[tilespmem:v3+s31+$0x8600] =	vst.idx.add.f32.msk $0xffff, v9  }
0x15b: {  	v9 =	vsub.f32 $0.0e+00, v8;
	[tilespmem:v4+s31+$0x8600] =	vst.idx.add.f32.msk $0xffff, v10  }
0x15c: {  	v11 =	vmul.f32 v12, v18;
	[tilespmem:v5+s31+$0x8600] =	vst.idx.add.f32.msk $0xffff, v10;
	v7 =	vpop (erf)  }
0x15d: {  	v12 =	vmul.f32 v7, v6;
	[tilespmem:v3+s31+$0x8800] =	vst.idx.add.f32.msk $0xffff, v9  }
0x15e: {  	[tilespmem:v4+s31+$0x8800] =	vst.idx.add.f32.msk $0xffff, v8;
	v9 =	vsub.f32 $0.0e+00, v11  }
0x15f: {  	v10 =	vmul.f32 v12, v17;
	[tilespmem:v5+s31+$0x8800] =	vst.idx.add.f32.msk $0xffff, v8;
	v7 =	vpop (erf)  }
0x160: {  	v7 =	vmul.f32 v7, v6;
	[tilespmem:v3+s31+$0x8A00] =	vst.idx.add.f32.msk $0xffff, v9  }
.Ltmp3:
0x161: {  	[tilespmem:v4+s31+$0x8A00] =	vst.idx.add.f32.msk $0xffff, v11;
	v8 =	vsub.f32 $0.0e+00, v10;
	(pc) =	sbr.rel @p0 .LBB2_8-.Ltmp3, $4  }
0x162: {  	v7 =	vmul.f32 v7, v16;
	[tilespmem:v5+s31+$0x8A00] =	vst.idx.add.f32.msk $0xffff, v11  }
0x163: {  	[tilespmem:v3+s31+$0x8C00] =	vst.idx.add.f32.msk $0xffff, v8  }
0x164: {  	[tilespmem:v4+s31+$0x8C00] =	vst.idx.add.f32.msk $0xffff, v10;
	v8 =	vsub.f32 $0.0e+00, v7  }
0x165: {  	[tilespmem:v5+s31+$0x8C00] =	vst.idx.add.f32.msk $0xffff, v10  }
0x166: {  	s0 =	sadd.s32 $0x1, s0  }
0x167: {  	p0 =	sne.s32 s0, $0x4F  }
.Ltmp4:
0x168: {  	_ = 	snop;
	(pc) =	sbr.rel @p0 .LBB2_7-.Ltmp4, $4  }
0x169: {  	_ = 	snop  }
0x16a: {  	[tilespmem:v3+s31+$0x8E00] =	vst.idx.add.f32.msk $0xffff, v8  }
0x16b: {  	[tilespmem:v4+s31+$0x8E00] =	vst.idx.add.f32.msk $0xffff, v7  }
0x16c: {  	[tilespmem:v5+s31+$0x8E00] =	vst.idx.add.f32.msk $0xffff, v7  }
0x16d: {  	s30 =	sadd.s32 $0x1, s30  }
0x16e: {  	p0 =	sne.s32 s30, s20  }
.Ltmp5:
0x16f: {  	_ = 	snop;
	(pc) =	sbr.rel @p0 .LBB2_1-.Ltmp5, $4  }
0x170: {  	[hbm4b:s19+s25] =	stream.strided.scatter [tilespmem:s28], [sflag:$0x2], $0x8000, s26, s25, $0x38;
	[tilespmem:$0x1B200] =	vst v63  }
0x171: {  	_ =	swait.ge [sflag:s29], $0x8000  }
0x172: {  	[sflag:s29] =	ssyncset.done $0x0  }
0x173: {  	[sflag:s29] =	ssyncadd.s32 $0xFFFF8000  }
0x174: {  	_ =	sfence.sel $0x180000  }
0x175: {  	[bflag:$0x0] =	sbarrier.arrive $0xFFFF  }
0x176: {  	_ =	strace $0x90000047  }
0x177: {  	s0 =	stileid.u32;
	[bflag:$0x2] =	sbarrier.arrive $0xFFFF  }
0x178: {  	p0 =	sne.s32 s0, $0x0;
	s0 =	rddreg [dreg:$0x2]  }
0x179: {  	s0 =	sadd.s32 @!p0 $0x100000, s0  }
0x17a: {  	[sflag:s0] =	ssyncadd.tile.s32 @!p0 $0x1;
	_ =	shalt  }
.Lfunc_end2:
_tile_overlayer_lowered:
.L_overlay_start_2:
0x17b: {  	(tag) =	ssettag $0x2  }
0x17c: {  	s0 =	rddreg [dreg:$0x0];
	s2 =	stileid.u32  }
0x17d: {  	s1 =	rddreg [dreg:$0x1];
	p0 =	sne.s32 s2, $0x0  }
0x17e: {  	s3 =	rddreg [dreg:$0x2];
	[bflag:$0x3] =	sbarrier.arrive $0xFFFF;
	s2 =	simm.s32 @!p0 $0x1C02  }
0x17f: {  	[timem:s3], [sflag:s2] =	dma.local @!p0 [hbm:s0], s1  }
0x180: {  	s0 =	simm.s32 @!p0 $0x2  }
0x181: {  	_ =	swait.ge @!p0 [sflag:s0], s1  }
0x182: {  	s1 =	ssub.s32 @!p0 $0x0, s1;
	[sflag:s0] =	ssyncset.done @!p0 $0x0  }
0x183: {  	[sflag:s0] =	ssyncadd.s32 @!p0 s1  }
0x184: {  	[bflag:$0x3] =	sbarrier.arrive $0xFFFF  }
0x185: {  	_ =	shalt  }

</sc_bundles>
